<compile_context>
chip_gen: v7x
topology: tpu7x:2x2x1
jax: 0.10.2.dev20260603
libtpu: 0.0.44.dev20260713+nightly
codegen_flags: <defaults>
</compile_context>

<pallas_src>
import functools

import jax
import jax.numpy as jnp
from jax import lax
from jax.experimental import pallas as pl
from jax.experimental.pallas import tpu as pltpu
from jax.experimental.pallas import tpu_sc as plsc

NC = 2
NS = 16
NW = NC * NS
CHUNK = 128
SLAB = 40

_mesh = plsc.VectorSubcoreMesh(core_axis_name="c", subcore_axis_name="s")


def _round_up(a, b):
    return (a + b - 1) // b * b


def _make_deg_kernel(pn, ch, d):
    rpt = pn // NS

    @functools.partial(
        pl.kernel,
        out_type=jax.ShapeDtypeStruct((NC, pn, d), jnp.float32),
        mesh=_mesh,
        scratch_types=[
            pltpu.VMEM((SLAB, CHUNK), jnp.int32),
            pltpu.VMEM((SLAB, CHUNK), jnp.int32),
            pltpu.VMEM((CHUNK, d), jnp.float32),
            pltpu.VMEM((CHUNK, d), jnp.float32),
            pltpu.VMEM_SHARED((pn, d), jnp.float32),
            pltpu.SemaphoreType.DMA,
            pltpu.SemaphoreType.DMA,
        ],
    )
    def deg_kernel(src_hbm, dst_hbm, ones_l_hbm, ones_r_hbm, zeros_hbm,
                   deg_hbm, srcv, dstv, ones_l, ones_r, acc, sem0, sem1):
        c = lax.axis_index("c")
        s = lax.axis_index("s")
        wid = s * NC + c
        r0 = s * rpt
        pltpu.sync_copy(zeros_hbm.at[pl.ds(r0, rpt)], acc.at[pl.ds(r0, rpt)])
        pltpu.sync_copy(ones_l_hbm, ones_l)
        pltpu.sync_copy(ones_r_hbm, ones_r)
        plsc.subcore_barrier()

        def slab(si, carry):
            base = wid * ch + si * SLAB
            pltpu.sync_copy(src_hbm.at[pl.ds(base, SLAB)], srcv)
            pltpu.sync_copy(dst_hbm.at[pl.ds(base, SLAB)], dstv)

            pltpu.async_copy(ones_l, acc.at[srcv.at[0]], sem0, add=True)
            pltpu.async_copy(ones_r, acc.at[dstv.at[0]], sem1, add=True)

            def step(j, c2):
                @pl.when(j < SLAB - 1)
                def _():
                    pltpu.async_copy(ones_l, acc.at[srcv.at[j + 1]], sem0, add=True)
                    pltpu.async_copy(ones_r, acc.at[dstv.at[j + 1]], sem1, add=True)
                pltpu.make_async_copy(ones_l, acc.at[srcv.at[j]], sem0).wait()
                pltpu.make_async_copy(ones_r, acc.at[dstv.at[j]], sem1).wait()
                return c2

            lax.fori_loop(0, SLAB, step, 0)
            return carry

        lax.fori_loop(0, ch // SLAB, slab, 0)
        plsc.subcore_barrier()
        pltpu.sync_copy(acc.at[pl.ds(r0, rpt)], deg_hbm.at[c, pl.ds(r0, rpt)])

    return deg_kernel


def _make_agg_kernel(pn, ch, d):
    rpt = pn // NS

    @functools.partial(
        pl.kernel,
        out_type=jax.ShapeDtypeStruct((NC, pn, d), jnp.float32),
        mesh=_mesh,
        scratch_types=[
            pltpu.VMEM((SLAB, CHUNK), jnp.int32),
            pltpu.VMEM((SLAB, CHUNK), jnp.int32),
            pltpu.VMEM((CHUNK, d), jnp.float32),
            pltpu.VMEM((CHUNK, d), jnp.float32),
            pltpu.VMEM_SHARED((pn, d), jnp.float32),
            pltpu.SemaphoreType.DMA,
            pltpu.SemaphoreType.DMA,
            pltpu.SemaphoreType.DMA,
            pltpu.SemaphoreType.DMA,
        ],
    )
    def agg_kernel(table_hbm, src_hbm, dst_hbm, zeros_hbm, out_hbm,
                   srcv, dstv, rows0, rows1, acc, semg0, semg1, sems0, sems1):
        c = lax.axis_index("c")
        s = lax.axis_index("s")
        wid = s * NC + c
        r0 = s * rpt
        pltpu.sync_copy(zeros_hbm.at[pl.ds(r0, rpt)], acc.at[pl.ds(r0, rpt)])
        plsc.subcore_barrier()

        def slab(si, carry):
            base = wid * ch + si * SLAB
            pltpu.sync_copy(src_hbm.at[pl.ds(base, SLAB)], srcv)
            pltpu.sync_copy(dst_hbm.at[pl.ds(base, SLAB)], dstv)
            pltpu.async_copy(table_hbm.at[srcv.at[0]], rows0, semg0)

            def step(jj, c2):
                j0 = 2 * jj
                j1 = j0 + 1
                pltpu.async_copy(table_hbm.at[srcv.at[j1]], rows1, semg1)
                pltpu.make_async_copy(table_hbm.at[srcv.at[j0]], rows0, semg0).wait()
                pltpu.sync_copy(rows0, acc.at[dstv.at[j0]], add=True)
                nxt = jnp.minimum(j0 + 2, SLAB - 1)
                pltpu.async_copy(table_hbm.at[srcv.at[nxt]], rows0, semg0)
                pltpu.make_async_copy(table_hbm.at[srcv.at[j1]], rows1, semg1).wait()
                pltpu.sync_copy(rows1, acc.at[dstv.at[j1]], add=True)
                return c2

            lax.fori_loop(0, SLAB // 2, step, 0)
            pltpu.make_async_copy(table_hbm.at[srcv.at[0]], rows0, semg0).wait()
            return carry

        lax.fori_loop(0, ch // SLAB, slab, 0)
        plsc.subcore_barrier()
        pltpu.sync_copy(acc.at[pl.ds(r0, rpt)], out_hbm.at[c, pl.ds(r0, rpt)])

    return agg_kernel


def _hprime_body(x_ref, deg_ref, w1_ref, out_ref):
    d = deg_ref[0, :, 0:1] + deg_ref[1, :, 0:1]
    norm = lax.rsqrt(jnp.maximum(d, 1.0))
    out_ref[...] = jnp.dot(x_ref[...] * norm, w1_ref[...],
                           preferred_element_type=jnp.float32)


def _mid_body(agg_ref, deg_ref, b1_ref, ws_ref, wn_ref, b2_ref, s_ref, p_ref):
    a = agg_ref[0] + agg_ref[1]
    din = deg_ref[0, :, 64:65] + deg_ref[1, :, 64:65]
    norm_in = lax.rsqrt(jnp.maximum(din, 1.0))
    h1 = jnp.maximum(a * norm_in + b1_ref[...], 0.0)
    s_ref[...] = jnp.dot(h1, ws_ref[...],
                         preferred_element_type=jnp.float32) + b2_ref[...]
    p_ref[...] = jnp.dot(h1, wn_ref[...], preferred_element_type=jnp.float32)


def _final_body(s_ref, nb_ref, deg_ref, out_ref):
    din = deg_ref[0, :, 64:65] + deg_ref[1, :, 64:65]
    inv = 1.0 / jnp.maximum(din, 1.0)
    out_ref[...] = s_ref[...] + (nb_ref[0] + nb_ref[1]) * inv


def kernel(x, edge_index, W1, b1, W_self, W_neigh, b2):
    n, d = x.shape
    e = edge_index.shape[1]
    pn = _round_up(n, 512)
    ch = _round_up(-(-e // (NW * CHUNK)), SLAB)
    pad_e = NW * ch * CHUNK

    src = edge_index[0].astype(jnp.int32)
    dst = edge_index[1].astype(jnp.int32)
    n_sent = pn - n
    sent = n + (jnp.arange(pad_e - e, dtype=jnp.int32) % n_sent)
    src2d = jnp.concatenate([src, sent]).reshape(NW * ch, CHUNK)
    dst2d = jnp.concatenate([dst, sent]).reshape(NW * ch, CHUNK)
    x_pad = jnp.concatenate([x, jnp.zeros((pn - n, d), x.dtype)])

    zeros_d = jnp.zeros((pn, d), jnp.float32)
    hd = d // 2
    ones_l = jnp.concatenate([jnp.ones((CHUNK, hd), jnp.float32),
                              jnp.zeros((CHUNK, hd), jnp.float32)], axis=1)
    ones_r = ones_l[:, ::-1]

    agg_kern = _make_agg_kernel(pn, ch, d)
    deg = _make_deg_kernel(pn, ch, d)(src2d, dst2d, ones_l, ones_r, zeros_d)

    br = pn // 4
    grid = pn // br
    row_spec = pl.BlockSpec((br, d), lambda i: (i, 0))
    two_spec = pl.BlockSpec((NC, br, d), lambda i: (0, i, 0))
    deg_spec = two_spec
    w_spec = pl.BlockSpec((d, d), lambda i: (0, 0))
    b_spec = pl.BlockSpec((1, d), lambda i: (0, 0))
    fs = jax.ShapeDtypeStruct((pn, d), jnp.float32)

    hprime = pl.pallas_call(
        _hprime_body, grid=(grid,),
        in_specs=[row_spec, deg_spec, w_spec],
        out_specs=row_spec, out_shape=fs,
    )(x_pad, deg, W1)

    agg = agg_kern(hprime, src2d, dst2d, zeros_d)

    s_out, p_out = pl.pallas_call(
        _mid_body, grid=(grid,),
        in_specs=[two_spec, deg_spec, b_spec, w_spec, w_spec, b_spec],
        out_specs=(row_spec, row_spec), out_shape=(fs, fs),
    )(agg, deg, b1.reshape(1, d), W_self, W_neigh, b2.reshape(1, d))

    neigh = agg_kern(p_out, src2d, dst2d, zeros_d)

    h2 = pl.pallas_call(
        _final_body, grid=(grid,),
        in_specs=[row_spec, two_spec, deg_spec],
        out_specs=row_spec, out_shape=fs,
    )(s_out, neigh, deg)

    return h2[:n]

# --- scband reference (transcript-rebuilt; emitter-appended) ---
"""Pipeline reference for scband-gcn-83159156785418 (READ-ONLY COPY).

The authoritative reference and input builder live on the scoring server;
editing this copy changes nothing except your own understanding.
"""

import jax, jax.numpy as jnp
import numpy as np

N_NODES = 10000
N_EDGES = 320000
D_IN = 128
D_HID = 128
D_OUT = 128


def setup_inputs(seed: int = 0) -> dict:
    key = jax.random.key(seed)
    ks = jax.random.split(key, 8)
    x = jax.random.normal(ks[0], (N_NODES, D_IN), dtype=jnp.float32)
    edge_index = jax.random.randint(ks[1], (2, N_EDGES), 0, N_NODES, dtype=jnp.int64)
    # GraphConv (norm='both') params
    W1 = jax.random.normal(ks[2], (D_IN, D_HID), dtype=jnp.float32) * (1.0 / np.sqrt(D_IN))
    b1 = jnp.zeros((D_HID,), dtype=jnp.float32)
    # SAGEConv (mean) params
    W_self = jax.random.normal(ks[3], (D_HID, D_OUT), dtype=jnp.float32) * (1.0 / np.sqrt(D_HID))
    W_neigh = jax.random.normal(ks[4], (D_HID, D_OUT), dtype=jnp.float32) * (1.0 / np.sqrt(D_HID))
    b2 = jnp.zeros((D_OUT,), dtype=jnp.float32)
    return {"x": x, "edge_index": edge_index, "W1": W1, "b1": b1,
            "W_self": W_self, "W_neigh": W_neigh, "b2": b2}


def reference(x, edge_index, W1, b1, W_self, W_neigh, b2):
    src = edge_index[0]
    dst = edge_index[1]
    n = x.shape[0]
    ones = jnp.ones((src.shape[0],), dtype=jnp.float32)
    deg_out = jax.ops.segment_sum(ones, src, num_segments=n)
    deg_in = jax.ops.segment_sum(ones, dst, num_segments=n)

    # ---- GraphConv, norm='both': D_in^{-1/2} A D_out^{-1/2} X W + b ----
    norm_out = jnp.power(jnp.clip(deg_out, 1.0, None), -0.5)
    norm_in = jnp.power(jnp.clip(deg_in, 1.0, None), -0.5)
    h = x * norm_out[:, None]
    msg = jnp.take(h, src, axis=0)
    agg = jax.ops.segment_sum(msg, dst, num_segments=n)
    agg = agg * norm_in[:, None]
    h1 = agg @ W1 + b1

    # ---- ReLU ----
    h1 = jax.nn.relu(h1)

    # ---- SAGEConv, aggregator='mean': fc_self(h) + fc_neigh(mean_neigh(h)) + b ----
    msg2 = jnp.take(h1, src, axis=0)
    neigh_sum = jax.ops.segment_sum(msg2, dst, num_segments=n)
    neigh_mean = neigh_sum / jnp.clip(deg_in, 1.0, None)[:, None]
    h2 = h1 @ W_self + neigh_mean @ W_neigh + b2
    return h2

if __name__ == "__main__":
    import jax
    _d = setup_inputs()
    print(jax.jit(kernel)(*tuple(_d.values())))

</pallas_src>

<mosaic_0001>
#map = affine_map<(d0, d1) -> (0, 0)>
#map1 = affine_map<(d0, d1) -> (0, 0, 0)>
module attributes {stable_mosaic.version = 14 : i64} {
  func.func @deg_kernel(%arg0: i32, %arg1: i32, %arg2: memref<2560x128xi32, #tpu.memory_space<hbm>>, %arg3: memref<2560x128xi32, #tpu.memory_space<hbm>>, %arg4: memref<128x128xf32, #tpu.memory_space<hbm>>, %arg5: memref<128x128xf32, #tpu.memory_space<hbm>>, %arg6: memref<10240x128xf32, #tpu.memory_space<hbm>>, %arg7: memref<2x10240x128xf32, #tpu.memory_space<hbm>>, %arg8: memref<40x128xi32, #tpu.memory_space<vmem>>, %arg9: memref<40x128xi32, #tpu.memory_space<vmem>>, %arg10: memref<128x128xf32, #tpu.memory_space<vmem>>, %arg11: memref<128x128xf32, #tpu.memory_space<vmem>>, %arg12: memref<10240x128xf32, #tpu.memory_space<vmem_shared>>, %arg13: memref<!tpu.dma_semaphore, #tpu.memory_space<semaphore_mem>>, %arg14: memref<!tpu.dma_semaphore, #tpu.memory_space<semaphore_mem>>) attributes {dimension_semantics = [#tpu.dimension_semantics<core_parallel>, #tpu.dimension_semantics<subcore_parallel>], iteration_bounds = array<i64: 2, 16>, scalar_prefetch = 0 : i64, scratch_operands = 7 : i64, tpu.core_type = #tpu.core_type<sc_vector_subcore>, window_params = [{transform_indices = #map}, {transform_indices = #map}, {transform_indices = #map}, {transform_indices = #map}, {transform_indices = #map}, {transform_indices = #map1}]} {
    %mul3A = arith.constant 2 : i32
    %mul3A_0 = arith.muli %arg1, %mul3A : i32
    %add3A = arith.addi %mul3A_0, %arg0 : i32
    %mul3A_1 = arith.constant 640 : i32
    %mul3A_2 = arith.muli %arg1, %mul3A_1 : i32
    "tpu.region"() ({
      %run_scoped3A = tpu.sem_alloc : memref<!tpu.dma_semaphore, #tpu.memory_space<semaphore_mem>>
      %dma_start3A = arith.constant 0 : i32
      %dma_start3A_9 = tpu.memref_slice %arg12[%mul3A_2, %dma_start3A] : memref<10240x128xf32, #tpu.memory_space<vmem_shared>> -> memref<640x128xf32, #tpu.memory_space<vmem_shared>>
      %dma_start3A_10 = arith.constant 0 : i32
      %dma_start3A_11 = tpu.memref_slice %arg6[%mul3A_2, %dma_start3A_10] : memref<10240x128xf32, #tpu.memory_space<hbm>> -> memref<640x128xf32, #tpu.memory_space<hbm>>
      tpu.enqueue_dma source(%dma_start3A_11 : memref<640x128xf32, #tpu.memory_space<hbm>>) target(%dma_start3A_9 : memref<640x128xf32, #tpu.memory_space<vmem_shared>>) target_semaphore(%run_scoped3A : memref<!tpu.dma_semaphore, #tpu.memory_space<semaphore_mem>>)
      %dma_wait3A = arith.constant 0 : i32
      %dma_wait3A_12 = tpu.memref_slice %arg12[%mul3A_2, %dma_wait3A] : memref<10240x128xf32, #tpu.memory_space<vmem_shared>> -> memref<640x128xf32, #tpu.memory_space<vmem_shared>>
      %dma_wait3A_13 = arith.constant 0 : i32
      %dma_wait3A_14 = tpu.memref_slice %arg6[%mul3A_2, %dma_wait3A_13] : memref<10240x128xf32, #tpu.memory_space<hbm>> -> memref<640x128xf32, #tpu.memory_space<hbm>>
      tpu.wait_dma2 semaphore(%run_scoped3A : memref<!tpu.dma_semaphore, #tpu.memory_space<semaphore_mem>>) src(%dma_wait3A_14 : memref<640x128xf32, #tpu.memory_space<hbm>>) dst(%dma_wait3A_12 : memref<640x128xf32, #tpu.memory_space<vmem_shared>>)
      tpu.yield
    }) : () -> ()
    "tpu.region"() ({
      %run_scoped3A = tpu.sem_alloc : memref<!tpu.dma_semaphore, #tpu.memory_space<semaphore_mem>>
      tpu.enqueue_dma source(%arg4 : memref<128x128xf32, #tpu.memory_space<hbm>>) target(%arg10 : memref<128x128xf32, #tpu.memory_space<vmem>>) target_semaphore(%run_scoped3A : memref<!tpu.dma_semaphore, #tpu.memory_space<semaphore_mem>>)
      tpu.wait_dma2 semaphore(%run_scoped3A : memref<!tpu.dma_semaphore, #tpu.memory_space<semaphore_mem>>) src(%arg4 : memref<128x128xf32, #tpu.memory_space<hbm>>) dst(%arg10 : memref<128x128xf32, #tpu.memory_space<vmem>>)
      tpu.yield
    }) : () -> ()
    "tpu.region"() ({
      %run_scoped3A = tpu.sem_alloc : memref<!tpu.dma_semaphore, #tpu.memory_space<semaphore_mem>>
      tpu.enqueue_dma source(%arg5 : memref<128x128xf32, #tpu.memory_space<hbm>>) target(%arg11 : memref<128x128xf32, #tpu.memory_space<vmem>>) target_semaphore(%run_scoped3A : memref<!tpu.dma_semaphore, #tpu.memory_space<semaphore_mem>>)
      tpu.wait_dma2 semaphore(%run_scoped3A : memref<!tpu.dma_semaphore, #tpu.memory_space<semaphore_mem>>) src(%arg5 : memref<128x128xf32, #tpu.memory_space<hbm>>) dst(%arg11 : memref<128x128xf32, #tpu.memory_space<vmem>>)
      tpu.yield
    }) : () -> ()
    %barrier3A = arith.constant 0 : index
    tpu.barrier barrier_id(%barrier3A)
    %scan3A = arith.constant 0 : i32
    %scan3A_3 = arith.constant 0 : i32
    %scan3A_4 = arith.constant 2 : i32
    %scan3A_5 = arith.addi %scan3A_3, %scan3A_4 : i32
    %scan3A_6 = arith.constant 1 : i32
    scf.for %scan3A_9 = %scan3A_3 to %scan3A_5 step %scan3A_6  : i32 {
      %mul3A_10 = arith.constant 80 : i32
      %mul3A_11 = arith.muli %add3A, %mul3A_10 : i32
      %mul3A_12 = arith.constant 40 : i32
      %mul3A_13 = arith.muli %scan3A_9, %mul3A_12 : i32
      %add3A_14 = arith.addi %mul3A_11, %mul3A_13 : i32
      "tpu.region"() ({
        %run_scoped3A = tpu.sem_alloc : memref<!tpu.dma_semaphore, #tpu.memory_space<semaphore_mem>>
        %dma_start3A_34 = arith.constant 0 : i32
        %dma_start3A_35 = tpu.memref_slice %arg2[%add3A_14, %dma_start3A_34] : memref<2560x128xi32, #tpu.memory_space<hbm>> -> memref<40x128xi32, #tpu.memory_space<hbm>>
        %dma_start3A_36 = arith.constant 0 : i32
        %dma_start3A_37 = tpu.memref_slice %arg2[%add3A_14, %dma_start3A_36] : memref<2560x128xi32, #tpu.memory_space<hbm>> -> memref<40x128xi32, #tpu.memory_space<hbm>>
        tpu.enqueue_dma source(%dma_start3A_37 : memref<40x128xi32, #tpu.memory_space<hbm>>) target(%arg8 : memref<40x128xi32, #tpu.memory_space<vmem>>) target_semaphore(%run_scoped3A : memref<!tpu.dma_semaphore, #tpu.memory_space<semaphore_mem>>)
        %dma_wait3A = arith.constant 0 : i32
        %dma_wait3A_38 = tpu.memref_slice %arg2[%add3A_14, %dma_wait3A] : memref<2560x128xi32, #tpu.memory_space<hbm>> -> memref<40x128xi32, #tpu.memory_space<hbm>>
        %dma_wait3A_39 = arith.constant 0 : i32
        %dma_wait3A_40 = tpu.memref_slice %arg2[%add3A_14, %dma_wait3A_39] : memref<2560x128xi32, #tpu.memory_space<hbm>> -> memref<40x128xi32, #tpu.memory_space<hbm>>
        tpu.wait_dma2 semaphore(%run_scoped3A : memref<!tpu.dma_semaphore, #tpu.memory_space<semaphore_mem>>) src(%dma_wait3A_40 : memref<40x128xi32, #tpu.memory_space<hbm>>) dst(%arg8 : memref<40x128xi32, #tpu.memory_space<vmem>>)
        tpu.yield
      }) : () -> ()
      "tpu.region"() ({
        %run_scoped3A = tpu.sem_alloc : memref<!tpu.dma_semaphore, #tpu.memory_space<semaphore_mem>>
        %dma_start3A_34 = arith.constant 0 : i32
        %dma_start3A_35 = tpu.memref_slice %arg3[%add3A_14, %dma_start3A_34] : memref<2560x128xi32, #tpu.memory_space<hbm>> -> memref<40x128xi32, #tpu.memory_space<hbm>>
        %dma_start3A_36 = arith.constant 0 : i32
        %dma_start3A_37 = tpu.memref_slice %arg3[%add3A_14, %dma_start3A_36] : memref<2560x128xi32, #tpu.memory_space<hbm>> -> memref<40x128xi32, #tpu.memory_space<hbm>>
        tpu.enqueue_dma source(%dma_start3A_37 : memref<40x128xi32, #tpu.memory_space<hbm>>) target(%arg9 : memref<40x128xi32, #tpu.memory_space<vmem>>) target_semaphore(%run_scoped3A : memref<!tpu.dma_semaphore, #tpu.memory_space<semaphore_mem>>)
        %dma_wait3A = arith.constant 0 : i32
        %dma_wait3A_38 = tpu.memref_slice %arg3[%add3A_14, %dma_wait3A] : memref<2560x128xi32, #tpu.memory_space<hbm>> -> memref<40x128xi32, #tpu.memory_space<hbm>>
        %dma_wait3A_39 = arith.constant 0 : i32
        %dma_wait3A_40 = tpu.memref_slice %arg3[%add3A_14, %dma_wait3A_39] : memref<2560x128xi32, #tpu.memory_space<hbm>> -> memref<40x128xi32, #tpu.memory_space<hbm>>
        tpu.wait_dma2 semaphore(%run_scoped3A : memref<!tpu.dma_semaphore, #tpu.memory_space<semaphore_mem>>) src(%dma_wait3A_40 : memref<40x128xi32, #tpu.memory_space<hbm>>) dst(%arg9 : memref<40x128xi32, #tpu.memory_space<vmem>>)
        tpu.yield
      }) : () -> ()
      %dma_start3A = arith.constant 0 : i32
      %dma_start3A_15 = arith.constant 0 : i32
      %dma_start3A_16 = tpu.memref_slice %arg8[%dma_start3A, %dma_start3A_15] : memref<40x128xi32, #tpu.memory_space<vmem>> -> memref<1x128xi32, #tpu.memory_space<vmem>>
      %dma_start3A_17 = tpu.memref_squeeze %dma_start3A_16 : memref<1x128xi32, #tpu.memory_space<vmem>> -> memref<128xi32, #tpu.memory_space<vmem>>
      %dma_start3A_18 = arith.constant 0 : i32
      %dma_start3A_19 = arith.constant 0 : i32
      %dma_start3A_20 = tpu.memref_slice %arg12[%dma_start3A_18, %dma_start3A_19] : memref<10240x128xf32, #tpu.memory_space<vmem_shared>> -> memref<10240x128xf32, #tpu.memory_space<vmem_shared>>
      tpu.enqueue_indirect_dma source(%arg10 : memref<128x128xf32, #tpu.memory_space<vmem>>) target(%dma_start3A_20 : memref<10240x128xf32, #tpu.memory_space<vmem_shared>>) offsets(%dma_start3A_17 : memref<128xi32, #tpu.memory_space<vmem>>) semaphore(%arg13 : memref<!tpu.dma_semaphore, #tpu.memory_space<semaphore_mem>>) {add = true}
      %dma_start3A_21 = arith.constant 0 : i32
      %dma_start3A_22 = arith.constant 0 : i32
      %dma_start3A_23 = tpu.memref_slice %arg9[%dma_start3A_21, %dma_start3A_22] : memref<40x128xi32, #tpu.memory_space<vmem>> -> memref<1x128xi32, #tpu.memory_space<vmem>>
      %dma_start3A_24 = tpu.memref_squeeze %dma_start3A_23 : memref<1x128xi32, #tpu.memory_space<vmem>> -> memref<128xi32, #tpu.memory_space<vmem>>
      %dma_start3A_25 = arith.constant 0 : i32
      %dma_start3A_26 = arith.constant 0 : i32
      %dma_start3A_27 = tpu.memref_slice %arg12[%dma_start3A_25, %dma_start3A_26] : memref<10240x128xf32, #tpu.memory_space<vmem_shared>> -> memref<10240x128xf32, #tpu.memory_space<vmem_shared>>
      tpu.enqueue_indirect_dma source(%arg11 : memref<128x128xf32, #tpu.memory_space<vmem>>) target(%dma_start3A_27 : memref<10240x128xf32, #tpu.memory_space<vmem_shared>>) offsets(%dma_start3A_24 : memref<128xi32, #tpu.memory_space<vmem>>) semaphore(%arg14 : memref<!tpu.dma_semaphore, #tpu.memory_space<semaphore_mem>>) {add = true}
      %scan3A_28 = arith.constant 0 : i32
      %scan3A_29 = arith.constant 0 : i32
      %scan3A_30 = arith.constant 40 : i32
      %scan3A_31 = arith.addi %scan3A_29, %scan3A_30 : i32
      %scan3A_32 = arith.constant 1 : i32
      scf.for %scan3A_34 = %scan3A_29 to %scan3A_31 step %scan3A_32  : i32 {
        %lt3A = arith.constant 39 : i32
        %lt3A_35 = arith.cmpi slt, %scan3A_34, %lt3A : i32
        %convert_element_type3A = arith.extui %lt3A_35 : i1 to i32
        %cond3A = arith.constant 0 : i32
        %cond3A_36 = arith.cmpi ne, %convert_element_type3A, %cond3A : i32
        scf.if %cond3A_36 {
          %add3A_48 = arith.constant 1 : i32
          %add3A_49 = arith.addi %scan3A_34, %add3A_48 : i32
          %dma_start3A_50 = arith.constant 0 : i32
          %dma_start3A_51 = tpu.memref_slice %arg8[%add3A_49, %dma_start3A_50] : memref<40x128xi32, #tpu.memory_space<vmem>> -> memref<1x128xi32, #tpu.memory_space<vmem>>
          %dma_start3A_52 = tpu.memref_squeeze %dma_start3A_51 : memref<1x128xi32, #tpu.memory_space<vmem>> -> memref<128xi32, #tpu.memory_space<vmem>>
          %dma_start3A_53 = arith.constant 0 : i32
          %dma_start3A_54 = arith.constant 0 : i32
          %dma_start3A_55 = tpu.memref_slice %arg12[%dma_start3A_53, %dma_start3A_54] : memref<10240x128xf32, #tpu.memory_space<vmem_shared>> -> memref<10240x128xf32, #tpu.memory_space<vmem_shared>>
          tpu.enqueue_indirect_dma source(%arg10 : memref<128x128xf32, #tpu.memory_space<vmem>>) target(%dma_start3A_55 : memref<10240x128xf32, #tpu.memory_space<vmem_shared>>) offsets(%dma_start3A_52 : memref<128xi32, #tpu.memory_space<vmem>>) semaphore(%arg13 : memref<!tpu.dma_semaphore, #tpu.memory_space<semaphore_mem>>) {add = true}
          %add3A_56 = arith.constant 1 : i32
          %add3A_57 = arith.addi %scan3A_34, %add3A_56 : i32
          %dma_start3A_58 = arith.constant 0 : i32
          %dma_start3A_59 = tpu.memref_slice %arg9[%add3A_57, %dma_start3A_58] : memref<40x128xi32, #tpu.memory_space<vmem>> -> memref<1x128xi32, #tpu.memory_space<vmem>>
          %dma_start3A_60 = tpu.memref_squeeze %dma_start3A_59 : memref<1x128xi32, #tpu.memory_space<vmem>> -> memref<128xi32, #tpu.memory_space<vmem>>
          %dma_start3A_61 = arith.constant 0 : i32
          %dma_start3A_62 = arith.constant 0 : i32
          %dma_start3A_63 = tpu.memref_slice %arg12[%dma_start3A_61, %dma_start3A_62] : memref<10240x128xf32, #tpu.memory_space<vmem_shared>> -> memref<10240x128xf32, #tpu.memory_space<vmem_shared>>
          tpu.enqueue_indirect_dma source(%arg11 : memref<128x128xf32, #tpu.memory_space<vmem>>) target(%dma_start3A_63 : memref<10240x128xf32, #tpu.memory_space<vmem_shared>>) offsets(%dma_start3A_60 : memref<128xi32, #tpu.memory_space<vmem>>) semaphore(%arg14 : memref<!tpu.dma_semaphore, #tpu.memory_space<semaphore_mem>>) {add = true}
        } else {
        }
        %dma_wait3A = arith.constant 0 : i32
        %dma_wait3A_37 = tpu.memref_slice %arg8[%scan3A_34, %dma_wait3A] : memref<40x128xi32, #tpu.memory_space<vmem>> -> memref<1x128xi32, #tpu.memory_space<vmem>>
        %dma_wait3A_38 = tpu.memref_squeeze %dma_wait3A_37 : memref<1x128xi32, #tpu.memory_space<vmem>> -> memref<128xi32, #tpu.memory_space<vmem>>
        %dma_wait3A_39 = arith.constant 0 : i32
        %dma_wait3A_40 = arith.constant 0 : i32
        %dma_wait3A_41 = tpu.memref_slice %arg12[%dma_wait3A_39, %dma_wait3A_40] : memref<10240x128xf32, #tpu.memory_space<vmem_shared>> -> memref<10240x128xf32, #tpu.memory_space<vmem_shared>>
        tpu.wait_indirect_dma semaphore(%arg13 : memref<!tpu.dma_semaphore, #tpu.memory_space<semaphore_mem>>) src(%arg10 : memref<128x128xf32, #tpu.memory_space<vmem>>) dst(%dma_wait3A_41 : memref<10240x128xf32, #tpu.memory_space<vmem_shared>>)
        %dma_wait3A_42 = arith.constant 0 : i32
        %dma_wait3A_43 = tpu.memref_slice %arg9[%scan3A_34, %dma_wait3A_42] : memref<40x128xi32, #tpu.memory_space<vmem>> -> memref<1x128xi32, #tpu.memory_space<vmem>>
        %dma_wait3A_44 = tpu.memref_squeeze %dma_wait3A_43 : memref<1x128xi32, #tpu.memory_space<vmem>> -> memref<128xi32, #tpu.memory_space<vmem>>
        %dma_wait3A_45 = arith.constant 0 : i32
        %dma_wait3A_46 = arith.constant 0 : i32
        %dma_wait3A_47 = tpu.memref_slice %arg12[%dma_wait3A_45, %dma_wait3A_46] : memref<10240x128xf32, #tpu.memory_space<vmem_shared>> -> memref<10240x128xf32, #tpu.memory_space<vmem_shared>>
        tpu.wait_indirect_dma semaphore(%arg14 : memref<!tpu.dma_semaphore, #tpu.memory_space<semaphore_mem>>) src(%arg11 : memref<128x128xf32, #tpu.memory_space<vmem>>) dst(%dma_wait3A_47 : memref<10240x128xf32, #tpu.memory_space<vmem_shared>>)
      }
      %scan3A_33 = arith.constant 40 : i32
    }
    %scan3A_7 = arith.constant 2 : i32
    %barrier3A_8 = arith.constant 0 : index
    tpu.barrier barrier_id(%barrier3A_8)
    "tpu.region"() ({
      %run_scoped3A = tpu.sem_alloc : memref<!tpu.dma_semaphore, #tpu.memory_space<semaphore_mem>>
      %dma_start3A = arith.constant 0 : i32
      %dma_start3A_9 = tpu.memref_slice %arg7[%arg0, %mul3A_2, %dma_start3A] : memref<2x10240x128xf32, #tpu.memory_space<hbm>> -> memref<1x640x128xf32, #tpu.memory_space<hbm>>
      %dma_start3A_10 = tpu.memref_squeeze %dma_start3A_9 : memref<1x640x128xf32, #tpu.memory_space<hbm>> -> memref<640x128xf32, #tpu.memory_space<hbm>>
      %dma_start3A_11 = arith.constant 0 : i32
      %dma_start3A_12 = tpu.memref_slice %arg12[%mul3A_2, %dma_start3A_11] : memref<10240x128xf32, #tpu.memory_space<vmem_shared>> -> memref<640x128xf32, #tpu.memory_space<vmem_shared>>
      tpu.enqueue_dma source(%dma_start3A_12 : memref<640x128xf32, #tpu.memory_space<vmem_shared>>) target(%dma_start3A_10 : memref<640x128xf32, #tpu.memory_space<hbm>>) target_semaphore(%run_scoped3A : memref<!tpu.dma_semaphore, #tpu.memory_space<semaphore_mem>>)
      %dma_wait3A = arith.constant 0 : i32
      %dma_wait3A_13 = tpu.memref_slice %arg7[%arg0, %mul3A_2, %dma_wait3A] : memref<2x10240x128xf32, #tpu.memory_space<hbm>> -> memref<1x640x128xf32, #tpu.memory_space<hbm>>
      %dma_wait3A_14 = tpu.memref_squeeze %dma_wait3A_13 : memref<1x640x128xf32, #tpu.memory_space<hbm>> -> memref<640x128xf32, #tpu.memory_space<hbm>>
      %dma_wait3A_15 = arith.constant 0 : i32
      %dma_wait3A_16 = tpu.memref_slice %arg12[%mul3A_2, %dma_wait3A_15] : memref<10240x128xf32, #tpu.memory_space<vmem_shared>> -> memref<640x128xf32, #tpu.memory_space<vmem_shared>>
      tpu.wait_dma2 semaphore(%run_scoped3A : memref<!tpu.dma_semaphore, #tpu.memory_space<semaphore_mem>>) src(%dma_wait3A_16 : memref<640x128xf32, #tpu.memory_space<vmem_shared>>) dst(%dma_wait3A_14 : memref<640x128xf32, #tpu.memory_space<hbm>>)
      tpu.yield
    }) : () -> ()
    return
  }
}

#map = affine_map<(d0, d1) -> (0, 0)>
#map1 = affine_map<(d0, d1) -> (0, 0, 0)>
module attributes {stable_mosaic.version = 14 : i64} {
  func.func @agg_kernel(%arg0: i32, %arg1: i32, %arg2: memref<10240x128xf32, #tpu.memory_space<hbm>>, %arg3: memref<2560x128xi32, #tpu.memory_space<hbm>>, %arg4: memref<2560x128xi32, #tpu.memory_space<hbm>>, %arg5: memref<10240x128xf32, #tpu.memory_space<hbm>>, %arg6: memref<2x10240x128xf32, #tpu.memory_space<hbm>>, %arg7: memref<40x128xi32, #tpu.memory_space<vmem>>, %arg8: memref<40x128xi32, #tpu.memory_space<vmem>>, %arg9: memref<128x128xf32, #tpu.memory_space<vmem>>, %arg10: memref<128x128xf32, #tpu.memory_space<vmem>>, %arg11: memref<10240x128xf32, #tpu.memory_space<vmem_shared>>, %arg12: memref<!tpu.dma_semaphore, #tpu.memory_space<semaphore_mem>>, %arg13: memref<!tpu.dma_semaphore, #tpu.memory_space<semaphore_mem>>, %arg14: memref<!tpu.dma_semaphore, #tpu.memory_space<semaphore_mem>>, %arg15: memref<!tpu.dma_semaphore, #tpu.memory_space<semaphore_mem>>) attributes {dimension_semantics = [#tpu.dimension_semantics<core_parallel>, #tpu.dimension_semantics<subcore_parallel>], iteration_bounds = array<i64: 2, 16>, scalar_prefetch = 0 : i64, scratch_operands = 9 : i64, tpu.core_type = #tpu.core_type<sc_vector_subcore>, window_params = [{transform_indices = #map}, {transform_indices = #map}, {transform_indices = #map}, {transform_indices = #map}, {transform_indices = #map1}]} {
    %mul3A = arith.constant 2 : i32
    %mul3A_0 = arith.muli %arg1, %mul3A : i32
    %add3A = arith.addi %mul3A_0, %arg0 : i32
    %mul3A_1 = arith.constant 640 : i32
    %mul3A_2 = arith.muli %arg1, %mul3A_1 : i32
    "tpu.region"() ({
      %run_scoped3A = tpu.sem_alloc : memref<!tpu.dma_semaphore, #tpu.memory_space<semaphore_mem>>
      %dma_start3A = arith.constant 0 : i32
      %dma_start3A_9 = tpu.memref_slice %arg11[%mul3A_2, %dma_start3A] : memref<10240x128xf32, #tpu.memory_space<vmem_shared>> -> memref<640x128xf32, #tpu.memory_space<vmem_shared>>
      %dma_start3A_10 = arith.constant 0 : i32
      %dma_start3A_11 = tpu.memref_slice %arg5[%mul3A_2, %dma_start3A_10] : memref<10240x128xf32, #tpu.memory_space<hbm>> -> memref<640x128xf32, #tpu.memory_space<hbm>>
      tpu.enqueue_dma source(%dma_start3A_11 : memref<640x128xf32, #tpu.memory_space<hbm>>) target(%dma_start3A_9 : memref<640x128xf32, #tpu.memory_space<vmem_shared>>) target_semaphore(%run_scoped3A : memref<!tpu.dma_semaphore, #tpu.memory_space<semaphore_mem>>)
      %dma_wait3A = arith.constant 0 : i32
      %dma_wait3A_12 = tpu.memref_slice %arg11[%mul3A_2, %dma_wait3A] : memref<10240x128xf32, #tpu.memory_space<vmem_shared>> -> memref<640x128xf32, #tpu.memory_space<vmem_shared>>
      %dma_wait3A_13 = arith.constant 0 : i32
      %dma_wait3A_14 = tpu.memref_slice %arg5[%mul3A_2, %dma_wait3A_13] : memref<10240x128xf32, #tpu.memory_space<hbm>> -> memref<640x128xf32, #tpu.memory_space<hbm>>
      tpu.wait_dma2 semaphore(%run_scoped3A : memref<!tpu.dma_semaphore, #tpu.memory_space<semaphore_mem>>) src(%dma_wait3A_14 : memref<640x128xf32, #tpu.memory_space<hbm>>) dst(%dma_wait3A_12 : memref<640x128xf32, #tpu.memory_space<vmem_shared>>)
      tpu.yield
    }) : () -> ()
    %barrier3A = arith.constant 0 : index
    tpu.barrier barrier_id(%barrier3A)
    %scan3A = arith.constant 0 : i32
    %scan3A_3 = arith.constant 0 : i32
    %scan3A_4 = arith.constant 2 : i32
    %scan3A_5 = arith.addi %scan3A_3, %scan3A_4 : i32
    %scan3A_6 = arith.constant 1 : i32
    scf.for %scan3A_9 = %scan3A_3 to %scan3A_5 step %scan3A_6  : i32 {
      %mul3A_10 = arith.constant 80 : i32
      %mul3A_11 = arith.muli %add3A, %mul3A_10 : i32
      %mul3A_12 = arith.constant 40 : i32
      %mul3A_13 = arith.muli %scan3A_9, %mul3A_12 : i32
      %add3A_14 = arith.addi %mul3A_11, %mul3A_13 : i32
      "tpu.region"() ({
        %run_scoped3A = tpu.sem_alloc : memref<!tpu.dma_semaphore, #tpu.memory_space<semaphore_mem>>
        %dma_start3A_33 = arith.constant 0 : i32
        %dma_start3A_34 = tpu.memref_slice %arg3[%add3A_14, %dma_start3A_33] : memref<2560x128xi32, #tpu.memory_space<hbm>> -> memref<40x128xi32, #tpu.memory_space<hbm>>
        %dma_start3A_35 = arith.constant 0 : i32
        %dma_start3A_36 = tpu.memref_slice %arg3[%add3A_14, %dma_start3A_35] : memref<2560x128xi32, #tpu.memory_space<hbm>> -> memref<40x128xi32, #tpu.memory_space<hbm>>
        tpu.enqueue_dma source(%dma_start3A_36 : memref<40x128xi32, #tpu.memory_space<hbm>>) target(%arg7 : memref<40x128xi32, #tpu.memory_space<vmem>>) target_semaphore(%run_scoped3A : memref<!tpu.dma_semaphore, #tpu.memory_space<semaphore_mem>>)
        %dma_wait3A_37 = arith.constant 0 : i32
        %dma_wait3A_38 = tpu.memref_slice %arg3[%add3A_14, %dma_wait3A_37] : memref<2560x128xi32, #tpu.memory_space<hbm>> -> memref<40x128xi32, #tpu.memory_space<hbm>>
        %dma_wait3A_39 = arith.constant 0 : i32
        %dma_wait3A_40 = tpu.memref_slice %arg3[%add3A_14, %dma_wait3A_39] : memref<2560x128xi32, #tpu.memory_space<hbm>> -> memref<40x128xi32, #tpu.memory_space<hbm>>
        tpu.wait_dma2 semaphore(%run_scoped3A : memref<!tpu.dma_semaphore, #tpu.memory_space<semaphore_mem>>) src(%dma_wait3A_40 : memref<40x128xi32, #tpu.memory_space<hbm>>) dst(%arg7 : memref<40x128xi32, #tpu.memory_space<vmem>>)
        tpu.yield
      }) : () -> ()
      "tpu.region"() ({
        %run_scoped3A = tpu.sem_alloc : memref<!tpu.dma_semaphore, #tpu.memory_space<semaphore_mem>>
        %dma_start3A_33 = arith.constant 0 : i32
        %dma_start3A_34 = tpu.memref_slice %arg4[%add3A_14, %dma_start3A_33] : memref<2560x128xi32, #tpu.memory_space<hbm>> -> memref<40x128xi32, #tpu.memory_space<hbm>>
        %dma_start3A_35 = arith.constant 0 : i32
        %dma_start3A_36 = tpu.memref_slice %arg4[%add3A_14, %dma_start3A_35] : memref<2560x128xi32, #tpu.memory_space<hbm>> -> memref<40x128xi32, #tpu.memory_space<hbm>>
        tpu.enqueue_dma source(%dma_start3A_36 : memref<40x128xi32, #tpu.memory_space<hbm>>) target(%arg8 : memref<40x128xi32, #tpu.memory_space<vmem>>) target_semaphore(%run_scoped3A : memref<!tpu.dma_semaphore, #tpu.memory_space<semaphore_mem>>)
        %dma_wait3A_37 = arith.constant 0 : i32
        %dma_wait3A_38 = tpu.memref_slice %arg4[%add3A_14, %dma_wait3A_37] : memref<2560x128xi32, #tpu.memory_space<hbm>> -> memref<40x128xi32, #tpu.memory_space<hbm>>
        %dma_wait3A_39 = arith.constant 0 : i32
        %dma_wait3A_40 = tpu.memref_slice %arg4[%add3A_14, %dma_wait3A_39] : memref<2560x128xi32, #tpu.memory_space<hbm>> -> memref<40x128xi32, #tpu.memory_space<hbm>>
        tpu.wait_dma2 semaphore(%run_scoped3A : memref<!tpu.dma_semaphore, #tpu.memory_space<semaphore_mem>>) src(%dma_wait3A_40 : memref<40x128xi32, #tpu.memory_space<hbm>>) dst(%arg8 : memref<40x128xi32, #tpu.memory_space<vmem>>)
        tpu.yield
      }) : () -> ()
      %dma_start3A = arith.constant 0 : i32
      %dma_start3A_15 = arith.constant 0 : i32
      %dma_start3A_16 = tpu.memref_slice %arg7[%dma_start3A, %dma_start3A_15] : memref<40x128xi32, #tpu.memory_space<vmem>> -> memref<1x128xi32, #tpu.memory_space<vmem>>
      %dma_start3A_17 = tpu.memref_squeeze %dma_start3A_16 : memref<1x128xi32, #tpu.memory_space<vmem>> -> memref<128xi32, #tpu.memory_space<vmem>>
      %dma_start3A_18 = arith.constant 0 : i32
      %dma_start3A_19 = arith.constant 0 : i32
      %dma_start3A_20 = tpu.memref_slice %arg2[%dma_start3A_18, %dma_start3A_19] : memref<10240x128xf32, #tpu.memory_space<hbm>> -> memref<10240x128xf32, #tpu.memory_space<hbm>>
      tpu.enqueue_indirect_dma source(%dma_start3A_20 : memref<10240x128xf32, #tpu.memory_space<hbm>>) target(%arg9 : memref<128x128xf32, #tpu.memory_space<vmem>>) offsets(%dma_start3A_17 : memref<128xi32, #tpu.memory_space<vmem>>) semaphore(%arg12 : memref<!tpu.dma_semaphore, #tpu.memory_space<semaphore_mem>>)
      %scan3A_21 = arith.constant 0 : i32
      %scan3A_22 = arith.constant 0 : i32
      %scan3A_23 = arith.constant 20 : i32
      %scan3A_24 = arith.addi %scan3A_22, %scan3A_23 : i32
      %scan3A_25 = arith.constant 1 : i32
      scf.for %scan3A_33 = %scan3A_22 to %scan3A_24 step %scan3A_25  : i32 {
        %mul3A_34 = arith.constant 2 : i32
        %mul3A_35 = arith.muli %mul3A_34, %scan3A_33 : i32
        %add3A_36 = arith.constant 1 : i32
        %add3A_37 = arith.addi %mul3A_35, %add3A_36 : i32
        %dma_start3A_38 = arith.constant 0 : i32
        %dma_start3A_39 = tpu.memref_slice %arg7[%add3A_37, %dma_start3A_38] : memref<40x128xi32, #tpu.memory_space<vmem>> -> memref<1x128xi32, #tpu.memory_space<vmem>>
        %dma_start3A_40 = tpu.memref_squeeze %dma_start3A_39 : memref<1x128xi32, #tpu.memory_space<vmem>> -> memref<128xi32, #tpu.memory_space<vmem>>
        %dma_start3A_41 = arith.constant 0 : i32
        %dma_start3A_42 = arith.constant 0 : i32
        %dma_start3A_43 = tpu.memref_slice %arg2[%dma_start3A_41, %dma_start3A_42] : memref<10240x128xf32, #tpu.memory_space<hbm>> -> memref<10240x128xf32, #tpu.memory_space<hbm>>
        tpu.enqueue_indirect_dma source(%dma_start3A_43 : memref<10240x128xf32, #tpu.memory_space<hbm>>) target(%arg10 : memref<128x128xf32, #tpu.memory_space<vmem>>) offsets(%dma_start3A_40 : memref<128xi32, #tpu.memory_space<vmem>>) semaphore(%arg13 : memref<!tpu.dma_semaphore, #tpu.memory_space<semaphore_mem>>)
        %dma_wait3A_44 = arith.constant 0 : i32
        %dma_wait3A_45 = tpu.memref_slice %arg7[%mul3A_35, %dma_wait3A_44] : memref<40x128xi32, #tpu.memory_space<vmem>> -> memref<1x128xi32, #tpu.memory_space<vmem>>
        %dma_wait3A_46 = tpu.memref_squeeze %dma_wait3A_45 : memref<1x128xi32, #tpu.memory_space<vmem>> -> memref<128xi32, #tpu.memory_space<vmem>>
        %dma_wait3A_47 = arith.constant 0 : i32
        %dma_wait3A_48 = arith.constant 0 : i32
        %dma_wait3A_49 = tpu.memref_slice %arg2[%dma_wait3A_47, %dma_wait3A_48] : memref<10240x128xf32, #tpu.memory_space<hbm>> -> memref<10240x128xf32, #tpu.memory_space<hbm>>
        tpu.wait_indirect_dma semaphore(%arg12 : memref<!tpu.dma_semaphore, #tpu.memory_space<semaphore_mem>>) src(%dma_wait3A_49 : memref<10240x128xf32, #tpu.memory_space<hbm>>) dst(%arg9 : memref<128x128xf32, #tpu.memory_space<vmem>>)
        "tpu.region"() ({
          %run_scoped3A = tpu.sem_alloc : memref<!tpu.dma_semaphore, #tpu.memory_space<semaphore_mem>>
          %dma_start3A_65 = arith.constant 0 : i32
          %dma_start3A_66 = tpu.memref_slice %arg8[%mul3A_35, %dma_start3A_65] : memref<40x128xi32, #tpu.memory_space<vmem>> -> memref<1x128xi32, #tpu.memory_space<vmem>>
          %dma_start3A_67 = tpu.memref_squeeze %dma_start3A_66 : memref<1x128xi32, #tpu.memory_space<vmem>> -> memref<128xi32, #tpu.memory_space<vmem>>
          %dma_start3A_68 = arith.constant 0 : i32
          %dma_start3A_69 = arith.constant 0 : i32
          %dma_start3A_70 = tpu.memref_slice %arg11[%dma_start3A_68, %dma_start3A_69] : memref<10240x128xf32, #tpu.memory_space<vmem_shared>> -> memref<10240x128xf32, #tpu.memory_space<vmem_shared>>
          tpu.enqueue_indirect_dma source(%arg9 : memref<128x128xf32, #tpu.memory_space<vmem>>) target(%dma_start3A_70 : memref<10240x128xf32, #tpu.memory_space<vmem_shared>>) offsets(%dma_start3A_67 : memref<128xi32, #tpu.memory_space<vmem>>) semaphore(%run_scoped3A : memref<!tpu.dma_semaphore, #tpu.memory_space<semaphore_mem>>) {add = true}
          %dma_wait3A_71 = arith.constant 0 : i32
          %dma_wait3A_72 = tpu.memref_slice %arg8[%mul3A_35, %dma_wait3A_71] : memref<40x128xi32, #tpu.memory_space<vmem>> -> memref<1x128xi32, #tpu.memory_space<vmem>>
          %dma_wait3A_73 = tpu.memref_squeeze %dma_wait3A_72 : memref<1x128xi32, #tpu.memory_space<vmem>> -> memref<128xi32, #tpu.memory_space<vmem>>
          %dma_wait3A_74 = arith.constant 0 : i32
          %dma_wait3A_75 = arith.constant 0 : i32
          %dma_wait3A_76 = tpu.memref_slice %arg11[%dma_wait3A_74, %dma_wait3A_75] : memref<10240x128xf32, #tpu.memory_space<vmem_shared>> -> memref<10240x128xf32, #tpu.memory_space<vmem_shared>>
          tpu.wait_indirect_dma semaphore(%run_scoped3A : memref<!tpu.dma_semaphore, #tpu.memory_space<semaphore_mem>>) src(%arg9 : memref<128x128xf32, #tpu.memory_space<vmem>>) dst(%dma_wait3A_76 : memref<10240x128xf32, #tpu.memory_space<vmem_shared>>)
          tpu.yield
        }) : () -> ()
        %add3A_50 = arith.constant 2 : i32
        %add3A_51 = arith.addi %mul3A_35, %add3A_50 : i32
        %min3A = arith.constant 39 : i32
        %min3A_52 = arith.minsi %add3A_51, %min3A : i32
        %dma_start3A_53 = arith.constant 0 : i32
        %dma_start3A_54 = tpu.memref_slice %arg7[%min3A_52, %dma_start3A_53] : memref<40x128xi32, #tpu.memory_space<vmem>> -> memref<1x128xi32, #tpu.memory_space<vmem>>
        %dma_start3A_55 = tpu.memref_squeeze %dma_start3A_54 : memref<1x128xi32, #tpu.memory_space<vmem>> -> memref<128xi32, #tpu.memory_space<vmem>>
        %dma_start3A_56 = arith.constant 0 : i32
        %dma_start3A_57 = arith.constant 0 : i32
        %dma_start3A_58 = tpu.memref_slice %arg2[%dma_start3A_56, %dma_start3A_57] : memref<10240x128xf32, #tpu.memory_space<hbm>> -> memref<10240x128xf32, #tpu.memory_space<hbm>>
        tpu.enqueue_indirect_dma source(%dma_start3A_58 : memref<10240x128xf32, #tpu.memory_space<hbm>>) target(%arg9 : memref<128x128xf32, #tpu.memory_space<vmem>>) offsets(%dma_start3A_55 : memref<128xi32, #tpu.memory_space<vmem>>) semaphore(%arg12 : memref<!tpu.dma_semaphore, #tpu.memory_space<semaphore_mem>>)
        %dma_wait3A_59 = arith.constant 0 : i32
        %dma_wait3A_60 = tpu.memref_slice %arg7[%add3A_37, %dma_wait3A_59] : memref<40x128xi32, #tpu.memory_space<vmem>> -> memref<1x128xi32, #tpu.memory_space<vmem>>
        %dma_wait3A_61 = tpu.memref_squeeze %dma_wait3A_60 : memref<1x128xi32, #tpu.memory_space<vmem>> -> memref<128xi32, #tpu.memory_space<vmem>>
        %dma_wait3A_62 = arith.constant 0 : i32
        %dma_wait3A_63 = arith.constant 0 : i32
        %dma_wait3A_64 = tpu.memref_slice %arg2[%dma_wait3A_62, %dma_wait3A_63] : memref<10240x128xf32, #tpu.memory_space<hbm>> -> memref<10240x128xf32, #tpu.memory_space<hbm>>
        tpu.wait_indirect_dma semaphore(%arg13 : memref<!tpu.dma_semaphore, #tpu.memory_space<semaphore_mem>>) src(%dma_wait3A_64 : memref<10240x128xf32, #tpu.memory_space<hbm>>) dst(%arg10 : memref<128x128xf32, #tpu.memory_space<vmem>>)
        "tpu.region"() ({
          %run_scoped3A = tpu.sem_alloc : memref<!tpu.dma_semaphore, #tpu.memory_space<semaphore_mem>>
          %dma_start3A_65 = arith.constant 0 : i32
          %dma_start3A_66 = tpu.memref_slice %arg8[%add3A_37, %dma_start3A_65] : memref<40x128xi32, #tpu.memory_space<vmem>> -> memref<1x128xi32, #tpu.memory_space<vmem>>
          %dma_start3A_67 = tpu.memref_squeeze %dma_start3A_66 : memref<1x128xi32, #tpu.memory_space<vmem>> -> memref<128xi32, #tpu.memory_space<vmem>>
          %dma_start3A_68 = arith.constant 0 : i32
          %dma_start3A_69 = arith.constant 0 : i32
          %dma_start3A_70 = tpu.memref_slice %arg11[%dma_start3A_68, %dma_start3A_69] : memref<10240x128xf32, #tpu.memory_space<vmem_shared>> -> memref<10240x128xf32, #tpu.memory_space<vmem_shared>>
          tpu.enqueue_indirect_dma source(%arg10 : memref<128x128xf32, #tpu.memory_space<vmem>>) target(%dma_start3A_70 : memref<10240x128xf32, #tpu.memory_space<vmem_shared>>) offsets(%dma_start3A_67 : memref<128xi32, #tpu.memory_space<vmem>>) semaphore(%run_scoped3A : memref<!tpu.dma_semaphore, #tpu.memory_space<semaphore_mem>>) {add = true}
          %dma_wait3A_71 = arith.constant 0 : i32
          %dma_wait3A_72 = tpu.memref_slice %arg8[%add3A_37, %dma_wait3A_71] : memref<40x128xi32, #tpu.memory_space<vmem>> -> memref<1x128xi32, #tpu.memory_space<vmem>>
          %dma_wait3A_73 = tpu.memref_squeeze %dma_wait3A_72 : memref<1x128xi32, #tpu.memory_space<vmem>> -> memref<128xi32, #tpu.memory_space<vmem>>
          %dma_wait3A_74 = arith.constant 0 : i32
          %dma_wait3A_75 = arith.constant 0 : i32
          %dma_wait3A_76 = tpu.memref_slice %arg11[%dma_wait3A_74, %dma_wait3A_75] : memref<10240x128xf32, #tpu.memory_space<vmem_shared>> -> memref<10240x128xf32, #tpu.memory_space<vmem_shared>>
          tpu.wait_indirect_dma semaphore(%run_scoped3A : memref<!tpu.dma_semaphore, #tpu.memory_space<semaphore_mem>>) src(%arg10 : memref<128x128xf32, #tpu.memory_space<vmem>>) dst(%dma_wait3A_76 : memref<10240x128xf32, #tpu.memory_space<vmem_shared>>)
          tpu.yield
        }) : () -> ()
      }
      %scan3A_26 = arith.constant 20 : i32
      %dma_wait3A = arith.constant 0 : i32
      %dma_wait3A_27 = arith.constant 0 : i32
      %dma_wait3A_28 = tpu.memref_slice %arg7[%dma_wait3A, %dma_wait3A_27] : memref<40x128xi32, #tpu.memory_space<vmem>> -> memref<1x128xi32, #tpu.memory_space<vmem>>
      %dma_wait3A_29 = tpu.memref_squeeze %dma_wait3A_28 : memref<1x128xi32, #tpu.memory_space<vmem>> -> memref<128xi32, #tpu.memory_space<vmem>>
      %dma_wait3A_30 = arith.constant 0 : i32
      %dma_wait3A_31 = arith.constant 0 : i32
      %dma_wait3A_32 = tpu.memref_slice %arg2[%dma_wait3A_30, %dma_wait3A_31] : memref<10240x128xf32, #tpu.memory_space<hbm>> -> memref<10240x128xf32, #tpu.memory_space<hbm>>
      tpu.wait_indirect_dma semaphore(%arg12 : memref<!tpu.dma_semaphore, #tpu.memory_space<semaphore_mem>>) src(%dma_wait3A_32 : memref<10240x128xf32, #tpu.memory_space<hbm>>) dst(%arg9 : memref<128x128xf32, #tpu.memory_space<vmem>>)
    }
    %scan3A_7 = arith.constant 2 : i32
    %barrier3A_8 = arith.constant 0 : index
    tpu.barrier barrier_id(%barrier3A_8)
    "tpu.region"() ({
      %run_scoped3A = tpu.sem_alloc : memref<!tpu.dma_semaphore, #tpu.memory_space<semaphore_mem>>
      %dma_start3A = arith.constant 0 : i32
      %dma_start3A_9 = tpu.memref_slice %arg6[%arg0, %mul3A_2, %dma_start3A] : memref<2x10240x128xf32, #tpu.memory_space<hbm>> -> memref<1x640x128xf32, #tpu.memory_space<hbm>>
      %dma_start3A_10 = tpu.memref_squeeze %dma_start3A_9 : memref<1x640x128xf32, #tpu.memory_space<hbm>> -> memref<640x128xf32, #tpu.memory_space<hbm>>
      %dma_start3A_11 = arith.constant 0 : i32
      %dma_start3A_12 = tpu.memref_slice %arg11[%mul3A_2, %dma_start3A_11] : memref<10240x128xf32, #tpu.memory_space<vmem_shared>> -> memref<640x128xf32, #tpu.memory_space<vmem_shared>>
      tpu.enqueue_dma source(%dma_start3A_12 : memref<640x128xf32, #tpu.memory_space<vmem_shared>>) target(%dma_start3A_10 : memref<640x128xf32, #tpu.memory_space<hbm>>) target_semaphore(%run_scoped3A : memref<!tpu.dma_semaphore, #tpu.memory_space<semaphore_mem>>)
      %dma_wait3A = arith.constant 0 : i32
      %dma_wait3A_13 = tpu.memref_slice %arg6[%arg0, %mul3A_2, %dma_wait3A] : memref<2x10240x128xf32, #tpu.memory_space<hbm>> -> memref<1x640x128xf32, #tpu.memory_space<hbm>>
      %dma_wait3A_14 = tpu.memref_squeeze %dma_wait3A_13 : memref<1x640x128xf32, #tpu.memory_space<hbm>> -> memref<640x128xf32, #tpu.memory_space<hbm>>
      %dma_wait3A_15 = arith.constant 0 : i32
      %dma_wait3A_16 = tpu.memref_slice %arg11[%mul3A_2, %dma_wait3A_15] : memref<10240x128xf32, #tpu.memory_space<vmem_shared>> -> memref<640x128xf32, #tpu.memory_space<vmem_shared>>
      tpu.wait_dma2 semaphore(%run_scoped3A : memref<!tpu.dma_semaphore, #tpu.memory_space<semaphore_mem>>) src(%dma_wait3A_16 : memref<640x128xf32, #tpu.memory_space<vmem_shared>>) dst(%dma_wait3A_14 : memref<640x128xf32, #tpu.memory_space<hbm>>)
      tpu.yield
    }) : () -> ()
    return
  }
}

#map = affine_map<(d0, d1) -> (0, 0)>
#map1 = affine_map<(d0, d1) -> (0, 0, 0)>
module attributes {stable_mosaic.version = 14 : i64} {
  func.func @agg_kernel(%arg0: i32, %arg1: i32, %arg2: memref<10240x128xf32, #tpu.memory_space<hbm>>, %arg3: memref<2560x128xi32, #tpu.memory_space<hbm>>, %arg4: memref<2560x128xi32, #tpu.memory_space<hbm>>, %arg5: memref<10240x128xf32, #tpu.memory_space<hbm>>, %arg6: memref<2x10240x128xf32, #tpu.memory_space<hbm>>, %arg7: memref<40x128xi32, #tpu.memory_space<vmem>>, %arg8: memref<40x128xi32, #tpu.memory_space<vmem>>, %arg9: memref<128x128xf32, #tpu.memory_space<vmem>>, %arg10: memref<128x128xf32, #tpu.memory_space<vmem>>, %arg11: memref<10240x128xf32, #tpu.memory_space<vmem_shared>>, %arg12: memref<!tpu.dma_semaphore, #tpu.memory_space<semaphore_mem>>, %arg13: memref<!tpu.dma_semaphore, #tpu.memory_space<semaphore_mem>>, %arg14: memref<!tpu.dma_semaphore, #tpu.memory_space<semaphore_mem>>, %arg15: memref<!tpu.dma_semaphore, #tpu.memory_space<semaphore_mem>>) attributes {dimension_semantics = [#tpu.dimension_semantics<core_parallel>, #tpu.dimension_semantics<subcore_parallel>], iteration_bounds = array<i64: 2, 16>, scalar_prefetch = 0 : i64, scratch_operands = 9 : i64, tpu.core_type = #tpu.core_type<sc_vector_subcore>, window_params = [{transform_indices = #map}, {transform_indices = #map}, {transform_indices = #map}, {transform_indices = #map}, {transform_indices = #map1}]} {
    %mul3A = arith.constant 2 : i32
    %mul3A_0 = arith.muli %arg1, %mul3A : i32
    %add3A = arith.addi %mul3A_0, %arg0 : i32
    %mul3A_1 = arith.constant 640 : i32
    %mul3A_2 = arith.muli %arg1, %mul3A_1 : i32
    "tpu.region"() ({
      %run_scoped3A = tpu.sem_alloc : memref<!tpu.dma_semaphore, #tpu.memory_space<semaphore_mem>>
      %dma_start3A = arith.constant 0 : i32
      %dma_start3A_9 = tpu.memref_slice %arg11[%mul3A_2, %dma_start3A] : memref<10240x128xf32, #tpu.memory_space<vmem_shared>> -> memref<640x128xf32, #tpu.memory_space<vmem_shared>>
      %dma_start3A_10 = arith.constant 0 : i32
      %dma_start3A_11 = tpu.memref_slice %arg5[%mul3A_2, %dma_start3A_10] : memref<10240x128xf32, #tpu.memory_space<hbm>> -> memref<640x128xf32, #tpu.memory_space<hbm>>
      tpu.enqueue_dma source(%dma_start3A_11 : memref<640x128xf32, #tpu.memory_space<hbm>>) target(%dma_start3A_9 : memref<640x128xf32, #tpu.memory_space<vmem_shared>>) target_semaphore(%run_scoped3A : memref<!tpu.dma_semaphore, #tpu.memory_space<semaphore_mem>>)
      %dma_wait3A = arith.constant 0 : i32
      %dma_wait3A_12 = tpu.memref_slice %arg11[%mul3A_2, %dma_wait3A] : memref<10240x128xf32, #tpu.memory_space<vmem_shared>> -> memref<640x128xf32, #tpu.memory_space<vmem_shared>>
      %dma_wait3A_13 = arith.constant 0 : i32
      %dma_wait3A_14 = tpu.memref_slice %arg5[%mul3A_2, %dma_wait3A_13] : memref<10240x128xf32, #tpu.memory_space<hbm>> -> memref<640x128xf32, #tpu.memory_space<hbm>>
      tpu.wait_dma2 semaphore(%run_scoped3A : memref<!tpu.dma_semaphore, #tpu.memory_space<semaphore_mem>>) src(%dma_wait3A_14 : memref<640x128xf32, #tpu.memory_space<hbm>>) dst(%dma_wait3A_12 : memref<640x128xf32, #tpu.memory_space<vmem_shared>>)
      tpu.yield
    }) : () -> ()
    %barrier3A = arith.constant 0 : index
    tpu.barrier barrier_id(%barrier3A)
    %scan3A = arith.constant 0 : i32
    %scan3A_3 = arith.constant 0 : i32
    %scan3A_4 = arith.constant 2 : i32
    %scan3A_5 = arith.addi %scan3A_3, %scan3A_4 : i32
    %scan3A_6 = arith.constant 1 : i32
    scf.for %scan3A_9 = %scan3A_3 to %scan3A_5 step %scan3A_6  : i32 {
      %mul3A_10 = arith.constant 80 : i32
      %mul3A_11 = arith.muli %add3A, %mul3A_10 : i32
      %mul3A_12 = arith.constant 40 : i32
      %mul3A_13 = arith.muli %scan3A_9, %mul3A_12 : i32
      %add3A_14 = arith.addi %mul3A_11, %mul3A_13 : i32
      "tpu.region"() ({
        %run_scoped3A = tpu.sem_alloc : memref<!tpu.dma_semaphore, #tpu.memory_space<semaphore_mem>>
        %dma_start3A_33 = arith.constant 0 : i32
        %dma_start3A_34 = tpu.memref_slice %arg3[%add3A_14, %dma_start3A_33] : memref<2560x128xi32, #tpu.memory_space<hbm>> -> memref<40x128xi32, #tpu.memory_space<hbm>>
        %dma_start3A_35 = arith.constant 0 : i32
        %dma_start3A_36 = tpu.memref_slice %arg3[%add3A_14, %dma_start3A_35] : memref<2560x128xi32, #tpu.memory_space<hbm>> -> memref<40x128xi32, #tpu.memory_space<hbm>>
        tpu.enqueue_dma source(%dma_start3A_36 : memref<40x128xi32, #tpu.memory_space<hbm>>) target(%arg7 : memref<40x128xi32, #tpu.memory_space<vmem>>) target_semaphore(%run_scoped3A : memref<!tpu.dma_semaphore, #tpu.memory_space<semaphore_mem>>)
        %dma_wait3A_37 = arith.constant 0 : i32
        %dma_wait3A_38 = tpu.memref_slice %arg3[%add3A_14, %dma_wait3A_37] : memref<2560x128xi32, #tpu.memory_space<hbm>> -> memref<40x128xi32, #tpu.memory_space<hbm>>
        %dma_wait3A_39 = arith.constant 0 : i32
        %dma_wait3A_40 = tpu.memref_slice %arg3[%add3A_14, %dma_wait3A_39] : memref<2560x128xi32, #tpu.memory_space<hbm>> -> memref<40x128xi32, #tpu.memory_space<hbm>>
        tpu.wait_dma2 semaphore(%run_scoped3A : memref<!tpu.dma_semaphore, #tpu.memory_space<semaphore_mem>>) src(%dma_wait3A_40 : memref<40x128xi32, #tpu.memory_space<hbm>>) dst(%arg7 : memref<40x128xi32, #tpu.memory_space<vmem>>)
        tpu.yield
      }) : () -> ()
      "tpu.region"() ({
        %run_scoped3A = tpu.sem_alloc : memref<!tpu.dma_semaphore, #tpu.memory_space<semaphore_mem>>
        %dma_start3A_33 = arith.constant 0 : i32
        %dma_start3A_34 = tpu.memref_slice %arg4[%add3A_14, %dma_start3A_33] : memref<2560x128xi32, #tpu.memory_space<hbm>> -> memref<40x128xi32, #tpu.memory_space<hbm>>
        %dma_start3A_35 = arith.constant 0 : i32
        %dma_start3A_36 = tpu.memref_slice %arg4[%add3A_14, %dma_start3A_35] : memref<2560x128xi32, #tpu.memory_space<hbm>> -> memref<40x128xi32, #tpu.memory_space<hbm>>
        tpu.enqueue_dma source(%dma_start3A_36 : memref<40x128xi32, #tpu.memory_space<hbm>>) target(%arg8 : memref<40x128xi32, #tpu.memory_space<vmem>>) target_semaphore(%run_scoped3A : memref<!tpu.dma_semaphore, #tpu.memory_space<semaphore_mem>>)
        %dma_wait3A_37 = arith.constant 0 : i32
        %dma_wait3A_38 = tpu.memref_slice %arg4[%add3A_14, %dma_wait3A_37] : memref<2560x128xi32, #tpu.memory_space<hbm>> -> memref<40x128xi32, #tpu.memory_space<hbm>>
        %dma_wait3A_39 = arith.constant 0 : i32
        %dma_wait3A_40 = tpu.memref_slice %arg4[%add3A_14, %dma_wait3A_39] : memref<2560x128xi32, #tpu.memory_space<hbm>> -> memref<40x128xi32, #tpu.memory_space<hbm>>
        tpu.wait_dma2 semaphore(%run_scoped3A : memref<!tpu.dma_semaphore, #tpu.memory_space<semaphore_mem>>) src(%dma_wait3A_40 : memref<40x128xi32, #tpu.memory_space<hbm>>) dst(%arg8 : memref<40x128xi32, #tpu.memory_space<vmem>>)
        tpu.yield
      }) : () -> ()
      %dma_start3A = arith.constant 0 : i32
      %dma_start3A_15 = arith.constant 0 : i32
      %dma_start3A_16 = tpu.memref_slice %arg7[%dma_start3A, %dma_start3A_15] : memref<40x128xi32, #tpu.memory_space<vmem>> -> memref<1x128xi32, #tpu.memory_space<vmem>>
      %dma_start3A_17 = tpu.memref_squeeze %dma_start3A_16 : memref<1x128xi32, #tpu.memory_space<vmem>> -> memref<128xi32, #tpu.memory_space<vmem>>
      %dma_start3A_18 = arith.constant 0 : i32
      %dma_start3A_19 = arith.constant 0 : i32
      %dma_start3A_20 = tpu.memref_slice %arg2[%dma_start3A_18, %dma_start3A_19] : memref<10240x128xf32, #tpu.memory_space<hbm>> -> memref<10240x128xf32, #tpu.memory_space<hbm>>
      tpu.enqueue_indirect_dma source(%dma_start3A_20 : memref<10240x128xf32, #tpu.memory_space<hbm>>) target(%arg9 : memref<128x128xf32, #tpu.memory_space<vmem>>) offsets(%dma_start3A_17 : memref<128xi32, #tpu.memory_space<vmem>>) semaphore(%arg12 : memref<!tpu.dma_semaphore, #tpu.memory_space<semaphore_mem>>)
      %scan3A_21 = arith.constant 0 : i32
      %scan3A_22 = arith.constant 0 : i32
      %scan3A_23 = arith.constant 20 : i32
      %scan3A_24 = arith.addi %scan3A_22, %scan3A_23 : i32
      %scan3A_25 = arith.constant 1 : i32
      scf.for %scan3A_33 = %scan3A_22 to %scan3A_24 step %scan3A_25  : i32 {
        %mul3A_34 = arith.constant 2 : i32
        %mul3A_35 = arith.muli %mul3A_34, %scan3A_33 : i32
        %add3A_36 = arith.constant 1 : i32
        %add3A_37 = arith.addi %mul3A_35, %add3A_36 : i32
        %dma_start3A_38 = arith.constant 0 : i32
        %dma_start3A_39 = tpu.memref_slice %arg7[%add3A_37, %dma_start3A_38] : memref<40x128xi32, #tpu.memory_space<vmem>> -> memref<1x128xi32, #tpu.memory_space<vmem>>
        %dma_start3A_40 = tpu.memref_squeeze %dma_start3A_39 : memref<1x128xi32, #tpu.memory_space<vmem>> -> memref<128xi32, #tpu.memory_space<vmem>>
        %dma_start3A_41 = arith.constant 0 : i32
        %dma_start3A_42 = arith.constant 0 : i32
        %dma_start3A_43 = tpu.memref_slice %arg2[%dma_start3A_41, %dma_start3A_42] : memref<10240x128xf32, #tpu.memory_space<hbm>> -> memref<10240x128xf32, #tpu.memory_space<hbm>>
        tpu.enqueue_indirect_dma source(%dma_start3A_43 : memref<10240x128xf32, #tpu.memory_space<hbm>>) target(%arg10 : memref<128x128xf32, #tpu.memory_space<vmem>>) offsets(%dma_start3A_40 : memref<128xi32, #tpu.memory_space<vmem>>) semaphore(%arg13 : memref<!tpu.dma_semaphore, #tpu.memory_space<semaphore_mem>>)
        %dma_wait3A_44 = arith.constant 0 : i32
        %dma_wait3A_45 = tpu.memref_slice %arg7[%mul3A_35, %dma_wait3A_44] : memref<40x128xi32, #tpu.memory_space<vmem>> -> memref<1x128xi32, #tpu.memory_space<vmem>>
        %dma_wait3A_46 = tpu.memref_squeeze %dma_wait3A_45 : memref<1x128xi32, #tpu.memory_space<vmem>> -> memref<128xi32, #tpu.memory_space<vmem>>
        %dma_wait3A_47 = arith.constant 0 : i32
        %dma_wait3A_48 = arith.constant 0 : i32
        %dma_wait3A_49 = tpu.memref_slice %arg2[%dma_wait3A_47, %dma_wait3A_48] : memref<10240x128xf32, #tpu.memory_space<hbm>> -> memref<10240x128xf32, #tpu.memory_space<hbm>>
        tpu.wait_indirect_dma semaphore(%arg12 : memref<!tpu.dma_semaphore, #tpu.memory_space<semaphore_mem>>) src(%dma_wait3A_49 : memref<10240x128xf32, #tpu.memory_space<hbm>>) dst(%arg9 : memref<128x128xf32, #tpu.memory_space<vmem>>)
        "tpu.region"() ({
          %run_scoped3A = tpu.sem_alloc : memref<!tpu.dma_semaphore, #tpu.memory_space<semaphore_mem>>
          %dma_start3A_65 = arith.constant 0 : i32
          %dma_start3A_66 = tpu.memref_slice %arg8[%mul3A_35, %dma_start3A_65] : memref<40x128xi32, #tpu.memory_space<vmem>> -> memref<1x128xi32, #tpu.memory_space<vmem>>
          %dma_start3A_67 = tpu.memref_squeeze %dma_start3A_66 : memref<1x128xi32, #tpu.memory_space<vmem>> -> memref<128xi32, #tpu.memory_space<vmem>>
          %dma_start3A_68 = arith.constant 0 : i32
          %dma_start3A_69 = arith.constant 0 : i32
          %dma_start3A_70 = tpu.memref_slice %arg11[%dma_start3A_68, %dma_start3A_69] : memref<10240x128xf32, #tpu.memory_space<vmem_shared>> -> memref<10240x128xf32, #tpu.memory_space<vmem_shared>>
          tpu.enqueue_indirect_dma source(%arg9 : memref<128x128xf32, #tpu.memory_space<vmem>>) target(%dma_start3A_70 : memref<10240x128xf32, #tpu.memory_space<vmem_shared>>) offsets(%dma_start3A_67 : memref<128xi32, #tpu.memory_space<vmem>>) semaphore(%run_scoped3A : memref<!tpu.dma_semaphore, #tpu.memory_space<semaphore_mem>>) {add = true}
          %dma_wait3A_71 = arith.constant 0 : i32
          %dma_wait3A_72 = tpu.memref_slice %arg8[%mul3A_35, %dma_wait3A_71] : memref<40x128xi32, #tpu.memory_space<vmem>> -> memref<1x128xi32, #tpu.memory_space<vmem>>
          %dma_wait3A_73 = tpu.memref_squeeze %dma_wait3A_72 : memref<1x128xi32, #tpu.memory_space<vmem>> -> memref<128xi32, #tpu.memory_space<vmem>>
          %dma_wait3A_74 = arith.constant 0 : i32
          %dma_wait3A_75 = arith.constant 0 : i32
          %dma_wait3A_76 = tpu.memref_slice %arg11[%dma_wait3A_74, %dma_wait3A_75] : memref<10240x128xf32, #tpu.memory_space<vmem_shared>> -> memref<10240x128xf32, #tpu.memory_space<vmem_shared>>
          tpu.wait_indirect_dma semaphore(%run_scoped3A : memref<!tpu.dma_semaphore, #tpu.memory_space<semaphore_mem>>) src(%arg9 : memref<128x128xf32, #tpu.memory_space<vmem>>) dst(%dma_wait3A_76 : memref<10240x128xf32, #tpu.memory_space<vmem_shared>>)
          tpu.yield
        }) : () -> ()
        %add3A_50 = arith.constant 2 : i32
        %add3A_51 = arith.addi %mul3A_35, %add3A_50 : i32
        %min3A = arith.constant 39 : i32
        %min3A_52 = arith.minsi %add3A_51, %min3A : i32
        %dma_start3A_53 = arith.constant 0 : i32
        %dma_start3A_54 = tpu.memref_slice %arg7[%min3A_52, %dma_start3A_53] : memref<40x128xi32, #tpu.memory_space<vmem>> -> memref<1x128xi32, #tpu.memory_space<vmem>>
        %dma_start3A_55 = tpu.memref_squeeze %dma_start3A_54 : memref<1x128xi32, #tpu.memory_space<vmem>> -> memref<128xi32, #tpu.memory_space<vmem>>
        %dma_start3A_56 = arith.constant 0 : i32
        %dma_start3A_57 = arith.constant 0 : i32
        %dma_start3A_58 = tpu.memref_slice %arg2[%dma_start3A_56, %dma_start3A_57] : memref<10240x128xf32, #tpu.memory_space<hbm>> -> memref<10240x128xf32, #tpu.memory_space<hbm>>
        tpu.enqueue_indirect_dma source(%dma_start3A_58 : memref<10240x128xf32, #tpu.memory_space<hbm>>) target(%arg9 : memref<128x128xf32, #tpu.memory_space<vmem>>) offsets(%dma_start3A_55 : memref<128xi32, #tpu.memory_space<vmem>>) semaphore(%arg12 : memref<!tpu.dma_semaphore, #tpu.memory_space<semaphore_mem>>)
        %dma_wait3A_59 = arith.constant 0 : i32
        %dma_wait3A_60 = tpu.memref_slice %arg7[%add3A_37, %dma_wait3A_59] : memref<40x128xi32, #tpu.memory_space<vmem>> -> memref<1x128xi32, #tpu.memory_space<vmem>>
        %dma_wait3A_61 = tpu.memref_squeeze %dma_wait3A_60 : memref<1x128xi32, #tpu.memory_space<vmem>> -> memref<128xi32, #tpu.memory_space<vmem>>
        %dma_wait3A_62 = arith.constant 0 : i32
        %dma_wait3A_63 = arith.constant 0 : i32
        %dma_wait3A_64 = tpu.memref_slice %arg2[%dma_wait3A_62, %dma_wait3A_63] : memref<10240x128xf32, #tpu.memory_space<hbm>> -> memref<10240x128xf32, #tpu.memory_space<hbm>>
        tpu.wait_indirect_dma semaphore(%arg13 : memref<!tpu.dma_semaphore, #tpu.memory_space<semaphore_mem>>) src(%dma_wait3A_64 : memref<10240x128xf32, #tpu.memory_space<hbm>>) dst(%arg10 : memref<128x128xf32, #tpu.memory_space<vmem>>)
        "tpu.region"() ({
          %run_scoped3A = tpu.sem_alloc : memref<!tpu.dma_semaphore, #tpu.memory_space<semaphore_mem>>
          %dma_start3A_65 = arith.constant 0 : i32
          %dma_start3A_66 = tpu.memref_slice %arg8[%add3A_37, %dma_start3A_65] : memref<40x128xi32, #tpu.memory_space<vmem>> -> memref<1x128xi32, #tpu.memory_space<vmem>>
          %dma_start3A_67 = tpu.memref_squeeze %dma_start3A_66 : memref<1x128xi32, #tpu.memory_space<vmem>> -> memref<128xi32, #tpu.memory_space<vmem>>
          %dma_start3A_68 = arith.constant 0 : i32
          %dma_start3A_69 = arith.constant 0 : i32
          %dma_start3A_70 = tpu.memref_slice %arg11[%dma_start3A_68, %dma_start3A_69] : memref<10240x128xf32, #tpu.memory_space<vmem_shared>> -> memref<10240x128xf32, #tpu.memory_space<vmem_shared>>
          tpu.enqueue_indirect_dma source(%arg10 : memref<128x128xf32, #tpu.memory_space<vmem>>) target(%dma_start3A_70 : memref<10240x128xf32, #tpu.memory_space<vmem_shared>>) offsets(%dma_start3A_67 : memref<128xi32, #tpu.memory_space<vmem>>) semaphore(%run_scoped3A : memref<!tpu.dma_semaphore, #tpu.memory_space<semaphore_mem>>) {add = true}
          %dma_wait3A_71 = arith.constant 0 : i32
          %dma_wait3A_72 = tpu.memref_slice %arg8[%add3A_37, %dma_wait3A_71] : memref<40x128xi32, #tpu.memory_space<vmem>> -> memref<1x128xi32, #tpu.memory_space<vmem>>
          %dma_wait3A_73 = tpu.memref_squeeze %dma_wait3A_72 : memref<1x128xi32, #tpu.memory_space<vmem>> -> memref<128xi32, #tpu.memory_space<vmem>>
          %dma_wait3A_74 = arith.constant 0 : i32
          %dma_wait3A_75 = arith.constant 0 : i32
          %dma_wait3A_76 = tpu.memref_slice %arg11[%dma_wait3A_74, %dma_wait3A_75] : memref<10240x128xf32, #tpu.memory_space<vmem_shared>> -> memref<10240x128xf32, #tpu.memory_space<vmem_shared>>
          tpu.wait_indirect_dma semaphore(%run_scoped3A : memref<!tpu.dma_semaphore, #tpu.memory_space<semaphore_mem>>) src(%arg10 : memref<128x128xf32, #tpu.memory_space<vmem>>) dst(%dma_wait3A_76 : memref<10240x128xf32, #tpu.memory_space<vmem_shared>>)
          tpu.yield
        }) : () -> ()
      }
      %scan3A_26 = arith.constant 20 : i32
      %dma_wait3A = arith.constant 0 : i32
      %dma_wait3A_27 = arith.constant 0 : i32
      %dma_wait3A_28 = tpu.memref_slice %arg7[%dma_wait3A, %dma_wait3A_27] : memref<40x128xi32, #tpu.memory_space<vmem>> -> memref<1x128xi32, #tpu.memory_space<vmem>>
      %dma_wait3A_29 = tpu.memref_squeeze %dma_wait3A_28 : memref<1x128xi32, #tpu.memory_space<vmem>> -> memref<128xi32, #tpu.memory_space<vmem>>
      %dma_wait3A_30 = arith.constant 0 : i32
      %dma_wait3A_31 = arith.constant 0 : i32
      %dma_wait3A_32 = tpu.memref_slice %arg2[%dma_wait3A_30, %dma_wait3A_31] : memref<10240x128xf32, #tpu.memory_space<hbm>> -> memref<10240x128xf32, #tpu.memory_space<hbm>>
      tpu.wait_indirect_dma semaphore(%arg12 : memref<!tpu.dma_semaphore, #tpu.memory_space<semaphore_mem>>) src(%dma_wait3A_32 : memref<10240x128xf32, #tpu.memory_space<hbm>>) dst(%arg9 : memref<128x128xf32, #tpu.memory_space<vmem>>)
    }
    %scan3A_7 = arith.constant 2 : i32
    %barrier3A_8 = arith.constant 0 : index
    tpu.barrier barrier_id(%barrier3A_8)
    "tpu.region"() ({
      %run_scoped3A = tpu.sem_alloc : memref<!tpu.dma_semaphore, #tpu.memory_space<semaphore_mem>>
      %dma_start3A = arith.constant 0 : i32
      %dma_start3A_9 = tpu.memref_slice %arg6[%arg0, %mul3A_2, %dma_start3A] : memref<2x10240x128xf32, #tpu.memory_space<hbm>> -> memref<1x640x128xf32, #tpu.memory_space<hbm>>
      %dma_start3A_10 = tpu.memref_squeeze %dma_start3A_9 : memref<1x640x128xf32, #tpu.memory_space<hbm>> -> memref<640x128xf32, #tpu.memory_space<hbm>>
      %dma_start3A_11 = arith.constant 0 : i32
      %dma_start3A_12 = tpu.memref_slice %arg11[%mul3A_2, %dma_start3A_11] : memref<10240x128xf32, #tpu.memory_space<vmem_shared>> -> memref<640x128xf32, #tpu.memory_space<vmem_shared>>
      tpu.enqueue_dma source(%dma_start3A_12 : memref<640x128xf32, #tpu.memory_space<vmem_shared>>) target(%dma_start3A_10 : memref<640x128xf32, #tpu.memory_space<hbm>>) target_semaphore(%run_scoped3A : memref<!tpu.dma_semaphore, #tpu.memory_space<semaphore_mem>>)
      %dma_wait3A = arith.constant 0 : i32
      %dma_wait3A_13 = tpu.memref_slice %arg6[%arg0, %mul3A_2, %dma_wait3A] : memref<2x10240x128xf32, #tpu.memory_space<hbm>> -> memref<1x640x128xf32, #tpu.memory_space<hbm>>
      %dma_wait3A_14 = tpu.memref_squeeze %dma_wait3A_13 : memref<1x640x128xf32, #tpu.memory_space<hbm>> -> memref<640x128xf32, #tpu.memory_space<hbm>>
      %dma_wait3A_15 = arith.constant 0 : i32
      %dma_wait3A_16 = tpu.memref_slice %arg11[%mul3A_2, %dma_wait3A_15] : memref<10240x128xf32, #tpu.memory_space<vmem_shared>> -> memref<640x128xf32, #tpu.memory_space<vmem_shared>>
      tpu.wait_dma2 semaphore(%run_scoped3A : memref<!tpu.dma_semaphore, #tpu.memory_space<semaphore_mem>>) src(%dma_wait3A_16 : memref<640x128xf32, #tpu.memory_space<vmem_shared>>) dst(%dma_wait3A_14 : memref<640x128xf32, #tpu.memory_space<hbm>>)
      tpu.yield
    }) : () -> ()
    return
  }
}

module attributes {stable_mosaic.version = 14 : i64} {
  func.func @_hprime_body(%arg0: i32, %arg1: memref<2560x128xf32, #tpu.memory_space<vmem>>, %arg2: memref<2x2560x128xf32, #tpu.memory_space<vmem>>, %arg3: memref<128x128xf32, #tpu.memory_space<vmem>>, %arg4: memref<2560x128xf32, #tpu.memory_space<vmem>>) attributes {dimension_semantics = [#tpu.dimension_semantics<arbitrary>], iteration_bounds = array<i64: 4>, scalar_prefetch = 0 : i64, scratch_operands = 0 : i64, tpu.core_type = #tpu.core_type<tc>, window_params = [{transform_indices = @transform_0, window_bounds = array<i64: 2560, 128>}, {transform_indices = @transform_1, window_bounds = array<i64: 2, 2560, 128>}, {pipeline_mode = #tpu.pipeline_mode<synchronous>, transform_indices = @transform_2, window_bounds = array<i64: 128, 128>}, {transform_indices = @transform_3, window_bounds = array<i64: 2560, 128>}]} {
    %get3A = arith.constant 0 : index
    %get3A_0 = arith.constant 0 : index
    %get3A_1 = arith.constant 0 : index
    %get3A_2 = vector.load %arg2[%get3A, %get3A_0, %get3A_1] : memref<2x2560x128xf32, #tpu.memory_space<vmem>>, vector<1x2560x1xf32>
    %get3A_3 = vector.shape_cast %get3A_2 : vector<1x2560x1xf32> to vector<2560x1xf32>
    %get3A_4 = arith.constant 1 : index
    %get3A_5 = arith.constant 0 : index
    %get3A_6 = arith.constant 0 : index
    %get3A_7 = vector.load %arg2[%get3A_4, %get3A_5, %get3A_6] : memref<2x2560x128xf32, #tpu.memory_space<vmem>>, vector<1x2560x1xf32>
    %get3A_8 = vector.shape_cast %get3A_7 : vector<1x2560x1xf32> to vector<2560x1xf32>
    %add3A = arith.addf %get3A_3, %get3A_8 : vector<2560x1xf32>
    %max3A = arith.constant 1.000000e+00 : f32
    %max3A_9 = vector.broadcast %max3A : f32 to vector<2560x1xf32>
    %max3A_10 = arith.maximumf %add3A, %max3A_9 : vector<2560x1xf32>
    %rsqrt3A = math.rsqrt %max3A_10 : vector<2560x1xf32>
    %get3A_11 = arith.constant 0 : index
    %get3A_12 = arith.constant 0 : index
    %get3A_13 = vector.load %arg1[%get3A_11, %get3A_12] : memref<2560x128xf32, #tpu.memory_space<vmem>>, vector<2560x128xf32>
    %mul3A = vector.broadcast %rsqrt3A : vector<2560x1xf32> to vector<2560x128xf32>
    %mul3A_14 = arith.mulf %get3A_13, %mul3A : vector<2560x128xf32>
    %get3A_15 = arith.constant 0 : index
    %get3A_16 = arith.constant 0 : index
    %get3A_17 = vector.load %arg3[%get3A_15, %get3A_16] : memref<128x128xf32, #tpu.memory_space<vmem>>, vector<128x128xf32>
    %dot_general3A = arith.constant dense<0.000000e+00> : vector<2560x128xf32>
    %dot_general3A_18 = tpu.matmul %mul3A_14, %get3A_17, %dot_general3A {dimension_numbers = #tpu.dot_dimension_numbers<[1], [0], [0], [1], [0, 0, 1, 1], [], []>, transpose_lhs_hint = false} : vector<2560x128xf32>, vector<128x128xf32>, vector<2560x128xf32> -> vector<2560x128xf32>
    %swap3A = arith.constant 0 : index
    %swap3A_19 = arith.constant 0 : index
    %swap3A_20 = vector.load %arg4[%swap3A, %swap3A_19] : memref<2560x128xf32, #tpu.memory_space<vmem>>, vector<2560x128xf32>
    tpu.vector_store %arg4[%swap3A, %swap3A_19], %dot_general3A_18 {strides = array<i32>} : memref<2560x128xf32, #tpu.memory_space<vmem>>, vector<2560x128xf32>,
    return
  }
  func.func @transform_0(%arg0: i32) -> (i32, i32) {
    %c0_i32 = arith.constant 0 : i32
    %c0_i32_0 = arith.constant 0 : i32
    return %arg0, %c0_i32 : i32, i32
  }
  func.func @transform_1(%arg0: i32) -> (i32, i32, i32) {
    %c0_i32 = arith.constant 0 : i32
    %c0_i32_0 = arith.constant 0 : i32
    %c0_i32_1 = arith.constant 0 : i32
    return %c0_i32, %arg0, %c0_i32_0 : i32, i32, i32
  }
  func.func @transform_2(%arg0: i32) -> (i32, i32) {
    %c0_i32 = arith.constant 0 : i32
    %c0_i32_0 = arith.constant 0 : i32
    %c0_i32_1 = arith.constant 0 : i32
    return %c0_i32, %c0_i32_0 : i32, i32
  }
  func.func @transform_3(%arg0: i32) -> (i32, i32) {
    %c0_i32 = arith.constant 0 : i32
    %c0_i32_0 = arith.constant 0 : i32
    return %arg0, %c0_i32 : i32, i32
  }
}

module attributes {stable_mosaic.version = 14 : i64} {
  func.func @_final_body(%arg0: i32, %arg1: memref<2560x128xf32, #tpu.memory_space<vmem>>, %arg2: memref<2x2560x128xf32, #tpu.memory_space<vmem>>, %arg3: memref<2x2560x128xf32, #tpu.memory_space<vmem>>, %arg4: memref<2560x128xf32, #tpu.memory_space<vmem>>) attributes {dimension_semantics = [#tpu.dimension_semantics<arbitrary>], iteration_bounds = array<i64: 4>, scalar_prefetch = 0 : i64, scratch_operands = 0 : i64, tpu.core_type = #tpu.core_type<tc>, window_params = [{transform_indices = @transform_0, window_bounds = array<i64: 2560, 128>}, {transform_indices = @transform_1, window_bounds = array<i64: 2, 2560, 128>}, {transform_indices = @transform_2, window_bounds = array<i64: 2, 2560, 128>}, {transform_indices = @transform_3, window_bounds = array<i64: 2560, 128>}]} {
    %get3A = arith.constant 0 : index
    %get3A_0 = arith.constant 0 : index
    %get3A_1 = arith.constant 64 : index
    %get3A_2 = vector.load %arg3[%get3A, %get3A_0, %get3A_1] : memref<2x2560x128xf32, #tpu.memory_space<vmem>>, vector<1x2560x1xf32>
    %get3A_3 = vector.shape_cast %get3A_2 : vector<1x2560x1xf32> to vector<2560x1xf32>
    %get3A_4 = arith.constant 1 : index
    %get3A_5 = arith.constant 0 : index
    %get3A_6 = arith.constant 64 : index
    %get3A_7 = vector.load %arg3[%get3A_4, %get3A_5, %get3A_6] : memref<2x2560x128xf32, #tpu.memory_space<vmem>>, vector<1x2560x1xf32>
    %get3A_8 = vector.shape_cast %get3A_7 : vector<1x2560x1xf32> to vector<2560x1xf32>
    %add3A = arith.addf %get3A_3, %get3A_8 : vector<2560x1xf32>
    %max3A = arith.constant 1.000000e+00 : f32
    %max3A_9 = vector.broadcast %max3A : f32 to vector<2560x1xf32>
    %max3A_10 = arith.maximumf %add3A, %max3A_9 : vector<2560x1xf32>
    %div3A = arith.constant 1.000000e+00 : f32
    %div3A_11 = vector.broadcast %div3A : f32 to vector<2560x1xf32>
    %div3A_12 = arith.divf %div3A_11, %max3A_10 : vector<2560x1xf32>
    %get3A_13 = arith.constant 0 : index
    %get3A_14 = arith.constant 0 : index
    %get3A_15 = vector.load %arg1[%get3A_13, %get3A_14] : memref<2560x128xf32, #tpu.memory_space<vmem>>, vector<2560x128xf32>
    %get3A_16 = arith.constant 0 : index
    %get3A_17 = arith.constant 0 : index
    %get3A_18 = arith.constant 0 : index
    %get3A_19 = vector.load %arg2[%get3A_16, %get3A_17, %get3A_18] : memref<2x2560x128xf32, #tpu.memory_space<vmem>>, vector<1x2560x128xf32>
    %get3A_20 = vector.shape_cast %get3A_19 : vector<1x2560x128xf32> to vector<2560x128xf32>
    %get3A_21 = arith.constant 1 : index
    %get3A_22 = arith.constant 0 : index
    %get3A_23 = arith.constant 0 : index
    %get3A_24 = vector.load %arg2[%get3A_21, %get3A_22, %get3A_23] : memref<2x2560x128xf32, #tpu.memory_space<vmem>>, vector<1x2560x128xf32>
    %get3A_25 = vector.shape_cast %get3A_24 : vector<1x2560x128xf32> to vector<2560x128xf32>
    %add3A_26 = arith.addf %get3A_20, %get3A_25 : vector<2560x128xf32>
    %mul3A = vector.broadcast %div3A_12 : vector<2560x1xf32> to vector<2560x128xf32>
    %mul3A_27 = arith.mulf %add3A_26, %mul3A : vector<2560x128xf32>
    %add3A_28 = arith.addf %get3A_15, %mul3A_27 : vector<2560x128xf32>
    %swap3A = arith.constant 0 : index
    %swap3A_29 = arith.constant 0 : index
    %swap3A_30 = vector.load %arg4[%swap3A, %swap3A_29] : memref<2560x128xf32, #tpu.memory_space<vmem>>, vector<2560x128xf32>
    tpu.vector_store %arg4[%swap3A, %swap3A_29], %add3A_28 {strides = array<i32>} : memref<2560x128xf32, #tpu.memory_space<vmem>>, vector<2560x128xf32>,
    return
  }
  func.func @transform_0(%arg0: i32) -> (i32, i32) {
    %c0_i32 = arith.constant 0 : i32
    %c0_i32_0 = arith.constant 0 : i32
    return %arg0, %c0_i32 : i32, i32
  }
  func.func @transform_1(%arg0: i32) -> (i32, i32, i32) {
    %c0_i32 = arith.constant 0 : i32
    %c0_i32_0 = arith.constant 0 : i32
    %c0_i32_1 = arith.constant 0 : i32
    return %c0_i32, %arg0, %c0_i32_0 : i32, i32, i32
  }
  func.func @transform_2(%arg0: i32) -> (i32, i32, i32) {
    %c0_i32 = arith.constant 0 : i32
    %c0_i32_0 = arith.constant 0 : i32
    %c0_i32_1 = arith.constant 0 : i32
    return %c0_i32, %arg0, %c0_i32_0 : i32, i32, i32
  }
  func.func @transform_3(%arg0: i32) -> (i32, i32) {
    %c0_i32 = arith.constant 0 : i32
    %c0_i32_0 = arith.constant 0 : i32
    return %arg0, %c0_i32 : i32, i32
  }
}

module attributes {stable_mosaic.version = 14 : i64} {
  func.func @_mid_body(%arg0: i32, %arg1: memref<2x2560x128xf32, #tpu.memory_space<vmem>>, %arg2: memref<2x2560x128xf32, #tpu.memory_space<vmem>>, %arg3: memref<1x128xf32, #tpu.memory_space<vmem>>, %arg4: memref<128x128xf32, #tpu.memory_space<vmem>>, %arg5: memref<128x128xf32, #tpu.memory_space<vmem>>, %arg6: memref<1x128xf32, #tpu.memory_space<vmem>>, %arg7: memref<2560x128xf32, #tpu.memory_space<vmem>>, %arg8: memref<2560x128xf32, #tpu.memory_space<vmem>>) attributes {dimension_semantics = [#tpu.dimension_semantics<arbitrary>], iteration_bounds = array<i64: 4>, scalar_prefetch = 0 : i64, scratch_operands = 0 : i64, tpu.core_type = #tpu.core_type<tc>, window_params = [{transform_indices = @transform_0, window_bounds = array<i64: 2, 2560, 128>}, {transform_indices = @transform_1, window_bounds = array<i64: 2, 2560, 128>}, {pipeline_mode = #tpu.pipeline_mode<synchronous>, transform_indices = @transform_2, window_bounds = array<i64: 1, 128>}, {pipeline_mode = #tpu.pipeline_mode<synchronous>, transform_indices = @transform_3, window_bounds = array<i64: 128, 128>}, {pipeline_mode = #tpu.pipeline_mode<synchronous>, transform_indices = @transform_4, window_bounds = array<i64: 128, 128>}, {pipeline_mode = #tpu.pipeline_mode<synchronous>, transform_indices = @transform_5, window_bounds = array<i64: 1, 128>}, {transform_indices = @transform_6, window_bounds = array<i64: 2560, 128>}, {transform_indices = @transform_7, window_bounds = array<i64: 2560, 128>}]} {
    %get3A = arith.constant 0 : index
    %get3A_0 = arith.constant 0 : index
    %get3A_1 = arith.constant 0 : index
    %get3A_2 = vector.load %arg1[%get3A, %get3A_0, %get3A_1] : memref<2x2560x128xf32, #tpu.memory_space<vmem>>, vector<1x2560x128xf32>
    %get3A_3 = vector.shape_cast %get3A_2 : vector<1x2560x128xf32> to vector<2560x128xf32>
    %get3A_4 = arith.constant 1 : index
    %get3A_5 = arith.constant 0 : index
    %get3A_6 = arith.constant 0 : index
    %get3A_7 = vector.load %arg1[%get3A_4, %get3A_5, %get3A_6] : memref<2x2560x128xf32, #tpu.memory_space<vmem>>, vector<1x2560x128xf32>
    %get3A_8 = vector.shape_cast %get3A_7 : vector<1x2560x128xf32> to vector<2560x128xf32>
    %add3A = arith.addf %get3A_3, %get3A_8 : vector<2560x128xf32>
    %get3A_9 = arith.constant 0 : index
    %get3A_10 = arith.constant 0 : index
    %get3A_11 = arith.constant 64 : index
    %get3A_12 = vector.load %arg2[%get3A_9, %get3A_10, %get3A_11] : memref<2x2560x128xf32, #tpu.memory_space<vmem>>, vector<1x2560x1xf32>
    %get3A_13 = vector.shape_cast %get3A_12 : vector<1x2560x1xf32> to vector<2560x1xf32>
    %get3A_14 = arith.constant 1 : index
    %get3A_15 = arith.constant 0 : index
    %get3A_16 = arith.constant 64 : index
    %get3A_17 = vector.load %arg2[%get3A_14, %get3A_15, %get3A_16] : memref<2x2560x128xf32, #tpu.memory_space<vmem>>, vector<1x2560x1xf32>
    %get3A_18 = vector.shape_cast %get3A_17 : vector<1x2560x1xf32> to vector<2560x1xf32>
    %add3A_19 = arith.addf %get3A_13, %get3A_18 : vector<2560x1xf32>
    %max3A = arith.constant 1.000000e+00 : f32
    %max3A_20 = vector.broadcast %max3A : f32 to vector<2560x1xf32>
    %max3A_21 = arith.maximumf %add3A_19, %max3A_20 : vector<2560x1xf32>
    %rsqrt3A = math.rsqrt %max3A_21 : vector<2560x1xf32>
    %mul3A = vector.broadcast %rsqrt3A : vector<2560x1xf32> to vector<2560x128xf32>
    %mul3A_22 = arith.mulf %add3A, %mul3A : vector<2560x128xf32>
    %get3A_23 = arith.constant 0 : index
    %get3A_24 = arith.constant 0 : index
    %get3A_25 = vector.load %arg3[%get3A_23, %get3A_24] : memref<1x128xf32, #tpu.memory_space<vmem>>, vector<1x128xf32>
    %add3A_26 = vector.broadcast %get3A_25 : vector<1x128xf32> to vector<2560x128xf32>
    %add3A_27 = arith.addf %mul3A_22, %add3A_26 : vector<2560x128xf32>
    %max3A_28 = arith.constant 0.000000e+00 : f32
    %max3A_29 = vector.broadcast %max3A_28 : f32 to vector<2560x128xf32>
    %max3A_30 = arith.maximumf %add3A_27, %max3A_29 : vector<2560x128xf32>
    %get3A_31 = arith.constant 0 : index
    %get3A_32 = arith.constant 0 : index
    %get3A_33 = vector.load %arg4[%get3A_31, %get3A_32] : memref<128x128xf32, #tpu.memory_space<vmem>>, vector<128x128xf32>
    %dot_general3A = arith.constant dense<0.000000e+00> : vector<2560x128xf32>
    %dot_general3A_34 = tpu.matmul %max3A_30, %get3A_33, %dot_general3A {dimension_numbers = #tpu.dot_dimension_numbers<[1], [0], [0], [1], [0, 0, 1, 1], [], []>, transpose_lhs_hint = false} : vector<2560x128xf32>, vector<128x128xf32>, vector<2560x128xf32> -> vector<2560x128xf32>
    %get3A_35 = arith.constant 0 : index
    %get3A_36 = arith.constant 0 : index
    %get3A_37 = vector.load %arg6[%get3A_35, %get3A_36] : memref<1x128xf32, #tpu.memory_space<vmem>>, vector<1x128xf32>
    %add3A_38 = vector.broadcast %get3A_37 : vector<1x128xf32> to vector<2560x128xf32>
    %add3A_39 = arith.addf %dot_general3A_34, %add3A_38 : vector<2560x128xf32>
    %swap3A = arith.constant 0 : index
    %swap3A_40 = arith.constant 0 : index
    %swap3A_41 = vector.load %arg7[%swap3A, %swap3A_40] : memref<2560x128xf32, #tpu.memory_space<vmem>>, vector<2560x128xf32>
    tpu.vector_store %arg7[%swap3A, %swap3A_40], %add3A_39 {strides = array<i32>} : memref<2560x128xf32, #tpu.memory_space<vmem>>, vector<2560x128xf32>,
    %get3A_42 = arith.constant 0 : index
    %get3A_43 = arith.constant 0 : index
    %get3A_44 = vector.load %arg5[%get3A_42, %get3A_43] : memref<128x128xf32, #tpu.memory_space<vmem>>, vector<128x128xf32>
    %dot_general3A_45 = arith.constant dense<0.000000e+00> : vector<2560x128xf32>
    %dot_general3A_46 = tpu.matmul %max3A_30, %get3A_44, %dot_general3A_45 {dimension_numbers = #tpu.dot_dimension_numbers<[1], [0], [0], [1], [0, 0, 1, 1], [], []>, transpose_lhs_hint = false} : vector<2560x128xf32>, vector<128x128xf32>, vector<2560x128xf32> -> vector<2560x128xf32>
    %swap3A_47 = arith.constant 0 : index
    %swap3A_48 = arith.constant 0 : index
    %swap3A_49 = vector.load %arg8[%swap3A_47, %swap3A_48] : memref<2560x128xf32, #tpu.memory_space<vmem>>, vector<2560x128xf32>
    tpu.vector_store %arg8[%swap3A_47, %swap3A_48], %dot_general3A_46 {strides = array<i32>} : memref<2560x128xf32, #tpu.memory_space<vmem>>, vector<2560x128xf32>,
    return
  }
  func.func @transform_0(%arg0: i32) -> (i32, i32, i32) {
    %c0_i32 = arith.constant 0 : i32
    %c0_i32_0 = arith.constant 0 : i32
    %c0_i32_1 = arith.constant 0 : i32
    return %c0_i32, %arg0, %c0_i32_0 : i32, i32, i32
  }
  func.func @transform_1(%arg0: i32) -> (i32, i32, i32) {
    %c0_i32 = arith.constant 0 : i32
    %c0_i32_0 = arith.constant 0 : i32
    %c0_i32_1 = arith.constant 0 : i32
    return %c0_i32, %arg0, %c0_i32_0 : i32, i32, i32
  }
  func.func @transform_2(%arg0: i32) -> (i32, i32) {
    %c0_i32 = arith.constant 0 : i32
    %c0_i32_0 = arith.constant 0 : i32
    %c0_i32_1 = arith.constant 0 : i32
    return %c0_i32, %c0_i32_0 : i32, i32
  }
  func.func @transform_3(%arg0: i32) -> (i32, i32) {
    %c0_i32 = arith.constant 0 : i32
    %c0_i32_0 = arith.constant 0 : i32
    %c0_i32_1 = arith.constant 0 : i32
    return %c0_i32, %c0_i32_0 : i32, i32
  }
  func.func @transform_4(%arg0: i32) -> (i32, i32) {
    %c0_i32 = arith.constant 0 : i32
    %c0_i32_0 = arith.constant 0 : i32
    %c0_i32_1 = arith.constant 0 : i32
    return %c0_i32, %c0_i32_0 : i32, i32
  }
  func.func @transform_5(%arg0: i32) -> (i32, i32) {
    %c0_i32 = arith.constant 0 : i32
    %c0_i32_0 = arith.constant 0 : i32
    %c0_i32_1 = arith.constant 0 : i32
    return %c0_i32, %c0_i32_0 : i32, i32
  }
  func.func @transform_6(%arg0: i32) -> (i32, i32) {
    %c0_i32 = arith.constant 0 : i32
    %c0_i32_0 = arith.constant 0 : i32
    return %arg0, %c0_i32 : i32, i32
  }
  func.func @transform_7(%arg0: i32) -> (i32, i32) {
    %c0_i32 = arith.constant 0 : i32
    %c0_i32_0 = arith.constant 0 : i32
    return %arg0, %c0_i32 : i32, i32
  }
}

</mosaic_0001>

<sc_bundles>
// kernel: kernel.11.cloned.1.call-start
scs
__scs_entry_jumppad:
0x0: {  	(pc) =	sbr.rel $0x88, $3  }
0x1: {  	(tag) =	ssettag $0x0;
	lr =	simm.s32 $0x1  }
0x2: {  	[smem:$0x3F9A] =	sst lr;
	_ =	strace $0xD0000000  }
0x3: {  	_ = 	snop  }
0x4: {  	_ = 	snop  }
0x5: {  	_ = 	snop  }
0x6: {  	_ = 	snop  }
0x7: {  	_ = 	snop  }
__scs_overlays_trampoline_lowered:
0x8: {  	[smem:$0x3FA9] =	sst s0  }
0x9: {  	[smem:$0x3FAA] =	sst s1  }
0xa: {  	[smem:$0x3FAB] =	sst s2  }
0xb: {  	[smem:$0x3FAC] =	sst s3  }
0xc: {  	[smem:$0x3FAD] =	sst s4  }
0xd: {  	[smem:$0x3FAE] =	sst s5  }
0xe: {  	[smem:$0x3FAF] =	sst s6  }
0xf: {  	[smem:$0x3FB0] =	sst s7  }
0x10: {  	[smem:$0x3FB1] =	sst s8  }
0x11: {  	[smem:$0x3FB2] =	sst s9;
	s0 =	simm.s32 @!p0 $0x0  }
0x12: {  	s1 =	sld [smem:$0x3F98];
	s0 =	simm.s32 @p0 $0x1  }
0x13: {  	[smem:$0x3FB3] =	sst s0;
	s0 =	simm.s32 @!p1 $0x0  }
0x14: {  	s2 =	sld [smem:$0x3F97];
	s0 =	simm.s32 @p1 $0x1  }
0x15: {  	[smem:$0x3FB4] =	sst s0;
	s0 =	simm.s32 @!p2 $0x0  }
0x16: {  	s3 =	sld [smem:$0x3FDB];
	s0 =	simm.s32 @p2 $0x1  }
0x17: {  	s4 =	simm.s32 $0x1BF5;
	[smem:$0x3FB6] =	sst s0  }
0x18: {  	s0 =	sld [smem:$0x3F99];
	_ =	swait.ge [sflag:s4], $0x0  }
0x19: {  	s7 =	sld [smem:$0x3F9A]  }
0x1a: {  	s8 =	sadd.s32 $0xFFFFE003, lr  }
0x1b: {  	s9 =	sadd.s32 $0xFFFFFEF7, lr;
	s5 =	simm.s32 $0xFFFFFFFF;
	p2 =	slt.u32 s8, $0xFFFFF086  }
0x1c: {  	p1 =	slt.u32 s9, $0xF7A;
	s5 =	simm.s32 @!p2 $0x0  }
0x1d: {  	s5 =	simm.s32 @p1 $0x1;
	p0 =	seq.s32 s7, s2  }
0x1e: {  	s7 =	smul.u32 @!p0 $0xF7A, s2;
	p2 =	seq.s32 @!p0 s5, $0x0  }
0x1f: {  	s9 =	smul.u32 $0xF7A, s1;
	s8 =	simm.s32 @!p0 $0x1BF5;
	p2 =	por !p2, p0  }
0x20: {  	[sflag:s8] =	ssyncset.s32 @!p0 $0xFFFFF086;
	s6 =	sadd.s32 @!p0 s3, s7;
	s7 =	simm.s32 @!p0 $0x108  }
0x21: {  	s3 =	sadd.s32 s3, s9;
	s6 =	sadd.s32 @!p0 $0x88, s6;
	s7 =	simm.s32 @p2 $0x1082  }
0x22: {  	[simem:s7], [sflag:s8] =	dma.local @!p0 [hbm:s6], $0xF7A  }
0x23: {  	s9 =	sor.u32 $0xD0000000, s2;
	s6 =	simm.s32 $0x108;
	_ =	swait.ge @!p0 [sflag:s8], $0x0  }
0x24: {  	s3 =	sadd.s32 $0x88, s3;
	s6 =	simm.s32 @!p1 $0x1082;
	[sflag:s4] =	ssyncset.s32 $0xFFFFF086  }
0x25: {  	[simem:s6], [sflag:s4] =	dma.local [hbm:s3], $0xF7A  }
0x26: {  	[smem:$0x3F9A] =	sst s1;
	(tag) =	ssettag s2;
	_ =	strace s9  }
0x27: {  	s1 =	sld [smem:$0x3FAA]  }
0x28: {  	s2 =	sld [smem:$0x3FAB]  }
0x29: {  	s4 =	sld [smem:$0x3FAD]  }
0x2a: {  	p0 =	seq.s32 s5, $0x0;
	s5 =	sld [smem:$0x3FAE]  }
0x2b: {  	s6 =	sld [smem:$0x3FAF]  }
0x2c: {  	s7 =	sld [smem:$0x3FB0]  }
0x2d: {  	s3 =	simm.s32 $0x108;
	s8 =	sld [smem:$0x3FB1]  }
0x2e: {  	s3 =	simm.s32 @!p0 $0x1082;
	s9 =	sld [smem:$0x3FB2]  }
0x2f: {  	lr =	sadd.s32 s0, s3;
	s0 =	sld [smem:$0x3FA9]  }
0x30: {  	s3 =	sld [smem:$0x3FAC]  }
0x31: {  	[smem:$0x3FB5] =	sst s10  }
0x32: {  	s10 =	sld [smem:$0x3FB3];
	_ =	sdelay $0x3  }
0x33: {  	p0 =	seq.s32 s10, $0x1;
	s10 =	sld [smem:$0x3FB5];
	_ =	sdelay $0x3  }
0x34: {  	[smem:$0x3FB5] =	sst s10  }
0x35: {  	s10 =	sld [smem:$0x3FB4];
	_ =	sdelay $0x3  }
0x36: {  	p1 =	seq.s32 s10, $0x1;
	s10 =	sld [smem:$0x3FB5];
	_ =	sdelay $0x3  }
0x37: {  	[smem:$0x3FB5] =	sst s10  }
0x38: {  	s10 =	sld [smem:$0x3FB6]  }
0x39: {  	_ = 	snop;
	(pc) =	sbr.ind lr, $3  }
0x3a: {  	_ = 	snop  }
0x3b: {  	_ = 	snop  }
0x3c: {  	p2 =	seq.s32 s10, $0x1;
	s10 =	sld [smem:$0x3FB5]  }
0x3d: {  	_ =	shalt  }
0x3e: {  	_ =	shalt  }
0x3f: {  	_ =	shalt  }
0x40: {  	_ =	shalt  }
0x41: {  	_ =	shalt  }
0x42: {  	_ =	shalt  }
0x43: {  	_ =	shalt  }
0x44: {  	_ =	shalt  }
0x45: {  	_ =	shalt  }
0x46: {  	_ =	shalt  }
0x47: {  	_ =	shalt  }
0x48: {  	_ =	shalt  }
0x49: {  	_ =	shalt  }
0x4a: {  	_ =	shalt  }
0x4b: {  	_ =	shalt  }
0x4c: {  	_ =	shalt  }
0x4d: {  	_ =	shalt  }
0x4e: {  	_ =	shalt  }
0x4f: {  	_ =	shalt  }
0x50: {  	_ =	shalt  }
0x51: {  	_ =	shalt  }
0x52: {  	_ =	shalt  }
0x53: {  	_ =	shalt  }
0x54: {  	_ =	shalt  }
0x55: {  	_ =	shalt  }
0x56: {  	_ =	shalt  }
0x57: {  	_ =	shalt  }
0x58: {  	_ =	shalt  }
0x59: {  	_ =	shalt  }
0x5a: {  	_ =	shalt  }
0x5b: {  	_ =	shalt  }
0x5c: {  	_ =	shalt  }
0x5d: {  	_ =	shalt  }
0x5e: {  	_ =	shalt  }
0x5f: {  	_ =	shalt  }
0x60: {  	_ =	shalt  }
0x61: {  	_ =	shalt  }
0x62: {  	_ =	shalt  }
0x63: {  	_ =	shalt  }
0x64: {  	_ =	shalt  }
0x65: {  	_ =	shalt  }
0x66: {  	_ =	shalt  }
0x67: {  	_ =	shalt  }
0x68: {  	_ =	shalt  }
0x69: {  	_ =	shalt  }
0x6a: {  	_ =	shalt  }
0x6b: {  	_ =	shalt  }
0x6c: {  	_ =	shalt  }
0x6d: {  	_ =	shalt  }
0x6e: {  	_ =	shalt  }
0x6f: {  	_ =	shalt  }
0x70: {  	_ =	shalt  }
0x71: {  	_ =	shalt  }
0x72: {  	_ =	shalt  }
0x73: {  	_ =	shalt  }
0x74: {  	_ =	shalt  }
0x75: {  	_ =	shalt  }
0x76: {  	_ =	shalt  }
0x77: {  	_ =	shalt  }
0x78: {  	_ =	shalt  }
0x79: {  	_ =	shalt  }
0x7a: {  	_ =	shalt  }
0x7b: {  	_ =	shalt  }
0x7c: {  	_ =	shalt  }
0x7d: {  	_ =	shalt  }
0x7e: {  	_ =	shalt  }
0x7f: {  	_ =	shalt  }
0x80: {  	_ =	shalt  }
0x81: {  	_ =	shalt  }
0x82: {  	_ =	shalt  }
0x83: {  	_ =	shalt  }
0x84: {  	_ =	shalt  }
0x85: {  	_ =	shalt  }
0x86: {  	_ =	shalt  }
0x87: {  	_ =	shalt  }
.Lfunc_end0:
.L_simem_size_0:
called_computation.1_lowered:
.L_overlay_start_0:
0x88: {  	s2 =	sld [smem:$0x3FD9]  }
0x89: {  	s3 =	sld [smem:$0x3FFE];
	_ =	sdelay $0x1  }
0x8a: {  	s1 =	srdreg.scid  }
0x8b: {  	s0 =	sand.u32 $0x1, s1  }
0x8c: {  	s17 =	sshll.u32 s0, $0xA;
	s2 =	sadd.s32 s3, s2  }
0x8d: {  	s2 =	sadd.s32 s2, s17  }
0x8e: {  	[smem:$0x3FC1] =	sst s2  }
0x8f: {  	_ = 	snop  }
0x90: {  	s2 =	sld [smem:$0x3FD0];
	(tm) =	ssettm $0x1  }
0x91: {  	s18 =	sld [smem:$0x3FFB];
	_ =	sdelay $0x3  }
0x92: {  	_ =	strace s18  }
0x93: {  	s3 =	sld [smem:$0x3FFC];
	_ =	sdelay $0x3  }
0x94: {  	_ =	strace s3  }
0x95: {  	s3 =	sld [smem:$0x3FFD];
	_ =	sdelay $0x3  }
0x96: {  	_ =	strace s3  }
0x97: {  	_ =	strace $0x8FFFFFFF  }
0x98: {  	s19 =	sld [smem:$0x3FDB];
	_ =	sdelay $0x1  }
0x99: {  	s4 =	simm.s32 $_scs_section_size  }
0x9a: {  	s5 =	simm.s32 $_size__tile_overlayer_lowered;
	s6 =	simm.s32 $_tile_overlayer_lowered  }
0x9b: {  	s22 =	simm.s32 $0x1BFF;
	s21 =	sshll.u32 s6, $0x1;
	s3 =	sadd.s32 s4, s19  }
0x9c: {  	s7 =	simm.s32 $0x0;
	s20 =	sshll.u32 s5, $0x1;
	s5 =	sadd.s32 s21, s3  }
0x9d: {  	[timem:s7], [sflag:s22] =	dma.local [hbm:s5], s20  }
0x9e: {  	_ =	swait.ge [sflag:s22], s20  }
0x9f: {  	s4 =	ssub.s32 $0x0, s20;
	[sflag:s22] =	ssyncset.done $0x0  }
0xa0: {  	[sflag:s22] =	ssyncadd.s32 s4;
	_ =	sdelay $0x1  }
0xa1: {  	s23 =	simm.s32 $0x1B8B  }
0xa2: {  	_ =	swait.ge [sflag:s23], $0x1  }
0xa3: {  	[sflag:s23] =	ssyncset.done $0x0  }
0xa4: {  	s25 =	simm.s32 $0x1B8E;
	s24 =	sld [smem:$0x3FFE];
	[sflag:s23] =	ssyncadd.s32 $0xFFFFFFFF  }
0xa5: {  	s26 =	simm.s32 $execute0_lowered;
	[smem:$0x3FD2] =	sst s25  }
0xa6: {  	s5 =	sshll.u32 s26, $0x1;
	_ =	strace $0x80000049;
	[dreg:$0x1] =	wrdreg $0xFFFFFFFF  }
0xa7: {  	s28 =	simm.s32 $_size_execute0_lowered;
	s3 =	sadd.s32 s3, s5;
	[dreg:$0x0] =	wrdreg $0x0  }
0xa8: {  	s5 =	sshll.u32 s28, $0x1;
	[dreg:$0x2] =	wrdreg s3  }
0xa9: {  	[dreg:$0x3] =	wrdreg s5  }
0xaa: {  	[dreg:$0x4] =	wrdreg $0xC0  }
0xab: {  	_ =	task [dreg:s7], $0x5FFFF  }
0xac: {  	[dreg:$0x1] =	wrdreg $0xFFFFFFFF  }
0xad: {  	[dreg:$0x0] =	wrdreg $0x60  }
0xae: {  	[dreg:$0x2] =	wrdreg s24  }
0xaf: {  	[dreg:$0x3] =	wrdreg s2  }
0xb0: {  	[dreg:$0x4] =	wrdreg $0xA8000  }
0xb1: {  	[dreg:$0x5] =	wrdreg $0x9  }
0xb2: {  	_ =	task.clear_ibuf [dreg:s7], $0x6FFFF;
	_ =	strace $0x90000049  }
0xb3: {  	s29 =	simm.s32 $0x9;
	_ =	strace $0x8000004B  }
0xb4: {  	_ =	swait.ge [sflag:s29], $0x1  }
0xb5: {  	[sflag:s29] =	ssyncadd.s32 $0xFFFFFFFF  }
0xb6: {  	_ =	strace $0x9000004B  }
0xb7: {  	_ =	sfence  }
0xb8: {  	s30 =	sld [smem:$0x0];
	_ =	sdelay $0x2  }
0xb9: {  	s31 =	sshll.u32 s1, $0xD;
	s1 =	sshrl.u32 s1, $0x2  }
0xba: {  	s3 =	sand.u32 $0x4000, s31;
	s1 =	sadd.s32 s1, s30  }
0xbb: {  	s0 =	sor.u32 s3, s0;
	s1 =	sshll.u32 s1, $0x11  }
0xbc: {  	s0 =	sor.u32 s1, s0  }
0xbd: {  	s0 =	sadd.s32 $0x8F2B, s0  }
0xbe: {  	[sflag:s0] =	ssyncadd.remote.s32 $0x1  }
0xbf: {  	_ =	sfence.sel $0xFFFF  }
0xc0: {  	[dreg:$0x0] =	wrdreg $0xFFFFFFFF;
	(pc) =	sbr.abs _section_cstart, $3  }
0xc1: {  	[dreg:$0x1] =	wrdreg $0xFFFFFFFF  }
0xc2: {  	_ =	task.clear_ibuf [dreg:s7], $0x2FFFF;
	_ =	strace $0x9FFFFFFF  }
0xc3: {  	(tm) =	ssettm $0x7FFFFFFF  }
tec
execute0_lowered:
.L_overlay_start_1:
0x0: {  	(tag) =	ssettag $0x1  }
0x1: {  	s5 =	rddreg [dreg:$0x0]  }
0x2: {  	s12 =	rddreg [dreg:$0x1]  }
0x3: {  	s2 =	rddreg [dreg:$0x2]  }
0x4: {  	s0 =	rddreg [dreg:$0x3];
	s1 =	stileid.u32  }
0x5: {  	s4 =	srdreg.scid;
	s3 =	simm.s32 $0x0;
	s15 =	simm.s32 $0x1400  }
0x6: {  	s16 =	simm.s32 $0x80;
	s17 =	simm.s32 $0x2800;
	s18 =	simm.s32 $0x6800  }
0x7: {  	s19 =	simm.s32 $0x1;
	s20 =	simm.s32 $0x2;
	s21 =	simm.s32 $0x1380  }
0x8: {  	s22 =	simm.s32 $0x2700;
	s6 =	smul.u32 $0x14000, s1;
	s7 =	sand.u32 $0x1, s4  }
0x9: {  	[smem:$0x7FF] =	sst s3;
	s4 =	sadd.s32 $0x85800, s5;
	s11 =	sadd.s32 $0x2800, s5  }
0xa: {  	s10 =	smul.u32 $0x50000, s1;
	s25 =	sshll.u32 s1, $0x1;
	s29 =	sshll.u32 s1, $0x6  }
0xb: {  	s8 =	smul.u32 $0x140000, s7;
	_ =	strace $0x8000004A;
	s23 =	ssub.s32 $0x2, s7  }
0xc: {  	s26 =	sor.u32 s7, s25;
	s9 =	sshrl.u32 s6, $0x3;
	s24 =	sshrl.u32 s23, $0x1  }
0xd: {  	s28 =	sshrl.u32 s10, $0x2;
	s30 =	smul.u32 $0x500, s26;
	s9 =	sadd.s32 s9, s5  }
0xe: {  	s6 =	sadd.s32 s6, s8;
	s8 =	ssub.s32 s23, s24;
	s14 =	sadd.s32 s28, s2  }
0xf: {  	s23 =	simm.s32 $0x2780;
	s24 =	simm.s32 $0x0;
	s6 =	sshrl.u32 s6, $0x3  }
0x10: {  	s8 =	smax.u32 s8, $0x1;
	s31 =	sadd.s32 $0x280, s30;
	s10 =	sadd.s32 s12, s30  }
0x11: {  	s13 =	sadd.s32 s6, s5;
	s5 =	sadd.s32 $0xD800, s9;
	s6 =	sor.u32 $0x1C03, s29  }
0x12: {  	s9 =	sadd.s32 s11, s30;
	s11 =	sadd.s32 s11, s31;
	s12 =	sadd.s32 s12, s31  }
0x13: {  	s7 =	sadd.s32 $0xAD800, s13;
	s13 =	sshrl.u32 s14, $0x3;
	s14 =	simm.s32 $0x3  }
.LBB2_1:
0x14: {  	[spmem:s13], [sflag:s6] =	dma.local [hbm:s5], $0x2800  }
0x15: {  	_ =	swait.ge [sflag:s14], $0x2800  }
0x16: {  	[sflag:s14] =	ssyncset.done $0x0  }
0x17: {  	[sflag:s14] =	ssyncadd.s32 $0xFFFFD800  }
0x18: {  	[bflag:$0x0] =	sbarrier.arrive $0xFFFF  }
0x19: {  	[tilespmem:s3], [sflag:$0x3] =	stream.linear.gather [hbm4b:s9+s3], $0x1400, $0x38;
	[tilespmem:$0x1E800] =	vst v63  }
0x1a: {  	_ =	swait.ge [sflag:s14], $0x1400  }
0x1b: {  	[sflag:s14] =	ssyncset.done $0x0  }
0x1c: {  	[sflag:s14] =	ssyncadd.s32 $0xFFFFEC00  }
0x1d: {  	[tilespmem:s15], [sflag:$0x3] =	stream.linear.gather [hbm4b:s10+s3], $0x1400, $0x38;
	[tilespmem:$0x1E800] =	vst v63  }
0x1e: {  	_ =	swait.ge [sflag:s14], $0x1400  }
0x1f: {  	[sflag:s14] =	ssyncset.done $0x0  }
0x20: {  	[sflag:s14] =	ssyncadd.s32 $0xFFFFEC00  }
0x21: {  	[tilespmem:s17], [sflag:$0x1] =	stream.indirect.gather [hbm4b:s4+s16], $0x80, s3, s16, $0xb8;
	[tilespmem:$0x1E800] =	vst v63  }
0x22: {  	s25 =	simm.s32 $0x80  }
0x23: {  	[tilespmem:s18], [sflag:$0x2] =	stream.indirect.gather [hbm4b:s4+s16], $0x80, s25, s16, $0xb8;
	[tilespmem:$0x1E800] =	vst v63  }
0x24: {  	_ =	swait.ge [sflag:s19], $0x4000  }
0x25: {  	[sflag:s19] =	ssyncset.done $0x0  }
0x26: {  	s29 =	simm.s32 $0x1400;
	[sflag:s19] =	ssyncadd.s32 $0xFFFFC000  }
0x27: {  	[spmem:s2] =	stream.indirect.scatter.add.f32 [tilespmem:s17], [sflag:$0x3], $0x80, s29, s16, $0xb8;
	[tilespmem:$0x1E800] =	vst v63  }
0x28: {  	_ =	swait.ge [sflag:s14], $0x4000  }
0x29: {  	[sflag:s14] =	ssyncset.done $0x0  }
0x2a: {  	s30 =	simm.s32 $0x100;
	[sflag:s14] =	ssyncadd.s32 $0xFFFFC000  }
0x2b: {  	[tilespmem:s17], [sflag:$0x1] =	stream.indirect.gather [hbm4b:s4+s16], $0x80, s30, s16, $0xb8;
	[tilespmem:$0x1E800] =	vst v63  }
0x2c: {  	_ =	swait.ge [sflag:s20], $0x4000  }
0x2d: {  	[sflag:s20] =	ssyncset.done $0x0  }
0x2e: {  	s31 =	simm.s32 $0x1480;
	[sflag:s20] =	ssyncadd.s32 $0xFFFFC000  }
0x2f: {  	[spmem:s2] =	stream.indirect.scatter.add.f32 [tilespmem:s18], [sflag:$0x3], $0x80, s31, s16, $0xb8;
	[tilespmem:$0x1E800] =	vst v63  }
0x30: {  	_ =	swait.ge [sflag:s14], $0x4000  }
0x31: {  	s26 =	simm.s32 $0x800;
	s25 =	simm.s32 $0x100;
	[sflag:s14] =	ssyncset.done $0x0  }
.LBB2_2:
0x32: {  	s28 =	sadd.s32 $0x80, s25  }
0x33: {  	[sflag:s14] =	ssyncadd.s32 $0xFFFFC000;
	s29 =	smov.u32 s26;
	s30 =	sadd.s32 $0x400, s26  }
0x34: {  	[tilespmem:s18], [sflag:$0x2] =	stream.indirect.gather [hbm4b:s4+s16], $0x80, s28, s16, $0xb8;
	[tilespmem:$0x1E800] =	vst v63  }
0x35: {  	p0 =	sne.s32 s26, $0x4800;
	_ =	swait.ge [sflag:s19], $0x4000  }
0x36: {  	[sflag:s19] =	ssyncset.done $0x0  }
0x37: {  	s26 =	sadd.s32 $0x1400, s25;
	[sflag:s19] =	ssyncadd.s32 $0xFFFFC000  }
0x38: {  	[spmem:s2] =	stream.indirect.scatter.add.f32 [tilespmem:s17], [sflag:$0x3], $0x80, s26, s16, $0xb8;
	[tilespmem:$0x1E800] =	vst v63  }
0x39: {  	_ =	swait.ge [sflag:s14], $0x4000  }
0x3a: {  	[sflag:s14] =	ssyncset.done $0x0  }
0x3b: {  	s26 =	sadd.s32 $0x100, s25;
	[sflag:s14] =	ssyncadd.s32 $0xFFFFC000  }
0x3c: {  	[tilespmem:s17], [sflag:$0x1] =	stream.indirect.gather [hbm4b:s4+s16], $0x80, s26, s16, $0xb8;
	[tilespmem:$0x1E800] =	vst v63  }
0x3d: {  	_ =	swait.ge [sflag:s20], $0x4000  }
.Ltmp0:
0x3e: {  	[sflag:s20] =	ssyncset.done $0x0;
	(pc) =	sbr.rel @p0 .LBB2_2-.Ltmp0, $4  }
0x3f: {  	s25 =	sadd.s32 $0x1480, s25;
	[sflag:s20] =	ssyncadd.s32 $0xFFFFC000  }
0x40: {  	[spmem:s2] =	stream.indirect.scatter.add.f32 [tilespmem:s18], [sflag:$0x3], $0x80, s25, s16, $0xb8;
	[tilespmem:$0x1E800] =	vst v63  }
0x41: {  	_ =	swait.ge [sflag:s14], $0x4000  }
0x42: {  	s26 =	smov.u32 s30;
	s25 =	sshra.s32 s29, $0x2;
	[sflag:s14] =	ssyncset.done $0x0  }
0x43: {  	s26 =	sadd.s32 $0x80, s25;
	[sflag:s14] =	ssyncadd.s32 $0xFFFFC000  }
0x44: {  	[tilespmem:s18], [sflag:$0x2] =	stream.indirect.gather [hbm4b:s4+s16], $0x80, s26, s16, $0xb8;
	[tilespmem:$0x1E800] =	vst v63  }
0x45: {  	_ =	swait.ge [sflag:s19], $0x4000  }
0x46: {  	[sflag:s19] =	ssyncset.done $0x0  }
0x47: {  	s29 =	sadd.s32 $0x1400, s25;
	[sflag:s19] =	ssyncadd.s32 $0xFFFFC000  }
0x48: {  	[spmem:s2] =	stream.indirect.scatter.add.f32 [tilespmem:s17], [sflag:$0x3], $0x80, s29, s16, $0xb8;
	[tilespmem:$0x1E800] =	vst v63  }
0x49: {  	_ =	swait.ge [sflag:s14], $0x4000  }
0x4a: {  	[sflag:s14] =	ssyncset.done $0x0  }
0x4b: {  	s30 =	sadd.s32 $0x100, s25;
	[sflag:s14] =	ssyncadd.s32 $0xFFFFC000  }
0x4c: {  	[tilespmem:s17], [sflag:$0x1] =	stream.indirect.gather [hbm4b:s4+s16], $0x80, s30, s16, $0xb8;
	[tilespmem:$0x1E800] =	vst v63  }
0x4d: {  	_ =	swait.ge [sflag:s20], $0x4000  }
0x4e: {  	[sflag:s20] =	ssyncset.done $0x0  }
0x4f: {  	s31 =	sadd.s32 $0x1480, s25;
	[sflag:s20] =	ssyncadd.s32 $0xFFFFC000  }
0x50: {  	[spmem:s2] =	stream.indirect.scatter.add.f32 [tilespmem:s18], [sflag:$0x3], $0x80, s31, s16, $0xb8;
	[tilespmem:$0x1E800] =	vst v63  }
0x51: {  	_ =	swait.ge [sflag:s14], $0x4000  }
0x52: {  	[sflag:s14] =	ssyncset.done $0x0  }
0x53: {  	[sflag:s14] =	ssyncadd.s32 $0xFFFFC000  }
0x54: {  	[tilespmem:s18], [sflag:$0x2] =	stream.indirect.gather [hbm4b:s4+s16], $0x80, s21, s16, $0xb8;
	[tilespmem:$0x1E800] =	vst v63  }
0x55: {  	_ =	swait.ge [sflag:s19], $0x4000  }
0x56: {  	[sflag:s19] =	ssyncset.done $0x0  }
0x57: {  	[sflag:s19] =	ssyncadd.s32 $0xFFFFC000  }
0x58: {  	[spmem:s2] =	stream.indirect.scatter.add.f32 [tilespmem:s17], [sflag:$0x3], $0x80, s22, s16, $0xb8;
	[tilespmem:$0x1E800] =	vst v63  }
0x59: {  	_ =	swait.ge [sflag:s14], $0x4000  }
0x5a: {  	[sflag:s14] =	ssyncset.done $0x0  }
0x5b: {  	[sflag:s14] =	ssyncadd.s32 $0xFFFFC000  }
0x5c: {  	[tilespmem:s17], [sflag:$0x1] =	stream.indirect.gather [hbm4b:s4+s16], $0x80, s21, s16, $0xb8;
	[tilespmem:$0x1E800] =	vst v63  }
0x5d: {  	_ =	swait.ge [sflag:s20], $0x4000  }
0x5e: {  	[sflag:s20] =	ssyncset.done $0x0  }
0x5f: {  	[sflag:s20] =	ssyncadd.s32 $0xFFFFC000  }
0x60: {  	[spmem:s2] =	stream.indirect.scatter.add.f32 [tilespmem:s18], [sflag:$0x3], $0x80, s23, s16, $0xb8;
	[tilespmem:$0x1E800] =	vst v63  }
0x61: {  	_ =	swait.ge [sflag:s14], $0x4000  }
0x62: {  	[sflag:s14] =	ssyncset.done $0x0  }
0x63: {  	[sflag:s14] =	ssyncadd.s32 $0xFFFFC000  }
0x64: {  	_ =	swait.ge [sflag:s19], $0x4000  }
0x65: {  	[sflag:s19] =	ssyncset.done $0x0  }
0x66: {  	s26 =	simm.s32 $0x0;
	[sflag:s19] =	ssyncadd.s32 $0xFFFFC000  }
0x67: {  	[tilespmem:s26], [sflag:$0x3] =	stream.linear.gather [hbm4b:s11+s26], $0x1400, $0x38;
	[tilespmem:$0x1E800] =	vst v63  }
0x68: {  	_ =	swait.ge [sflag:s14], $0x1400  }
0x69: {  	[sflag:s14] =	ssyncset.done $0x0  }
0x6a: {  	[sflag:s14] =	ssyncadd.s32 $0xFFFFEC00  }
0x6b: {  	[tilespmem:s15], [sflag:$0x3] =	stream.linear.gather [hbm4b:s12+s26], $0x1400, $0x38;
	[tilespmem:$0x1E800] =	vst v63  }
0x6c: {  	_ =	swait.ge [sflag:s14], $0x1400  }
0x6d: {  	[sflag:s14] =	ssyncset.done $0x0  }
0x6e: {  	[sflag:s14] =	ssyncadd.s32 $0xFFFFEC00  }
0x6f: {  	[tilespmem:s17], [sflag:$0x1] =	stream.indirect.gather [hbm4b:s4+s16], $0x80, s26, s16, $0xb8;
	[tilespmem:$0x1E800] =	vst v63  }
0x70: {  	s28 =	simm.s32 $0x80  }
0x71: {  	[tilespmem:s18], [sflag:$0x2] =	stream.indirect.gather [hbm4b:s4+s16], $0x80, s28, s16, $0xb8;
	[tilespmem:$0x1E800] =	vst v63  }
0x72: {  	_ =	swait.ge [sflag:s19], $0x4000  }
0x73: {  	[sflag:s19] =	ssyncset.done $0x0  }
0x74: {  	s29 =	simm.s32 $0x1400;
	[sflag:s19] =	ssyncadd.s32 $0xFFFFC000  }
0x75: {  	[spmem:s2] =	stream.indirect.scatter.add.f32 [tilespmem:s17], [sflag:$0x3], $0x80, s29, s16, $0xb8;
	[tilespmem:$0x1E800] =	vst v63  }
0x76: {  	_ =	swait.ge [sflag:s14], $0x4000  }
0x77: {  	[sflag:s14] =	ssyncset.done $0x0  }
0x78: {  	s30 =	simm.s32 $0x100;
	[sflag:s14] =	ssyncadd.s32 $0xFFFFC000  }
0x79: {  	[tilespmem:s17], [sflag:$0x1] =	stream.indirect.gather [hbm4b:s4+s16], $0x80, s30, s16, $0xb8;
	[tilespmem:$0x1E800] =	vst v63  }
0x7a: {  	_ =	swait.ge [sflag:s20], $0x4000  }
0x7b: {  	[sflag:s20] =	ssyncset.done $0x0  }
0x7c: {  	s31 =	simm.s32 $0x1480;
	[sflag:s20] =	ssyncadd.s32 $0xFFFFC000  }
0x7d: {  	[spmem:s2] =	stream.indirect.scatter.add.f32 [tilespmem:s18], [sflag:$0x3], $0x80, s31, s16, $0xb8;
	[tilespmem:$0x1E800] =	vst v63  }
0x7e: {  	_ =	swait.ge [sflag:s14], $0x4000  }
0x7f: {  	s25 =	simm.s32 $0x100;
	s26 =	simm.s32 $0x800;
	[sflag:s14] =	ssyncset.done $0x0  }
.LBB2_4:
0x80: {  	s28 =	sadd.s32 $0x80, s25  }
0x81: {  	[sflag:s14] =	ssyncadd.s32 $0xFFFFC000;
	s29 =	smov.u32 s26;
	s30 =	sadd.s32 $0x400, s26  }
0x82: {  	[tilespmem:s18], [sflag:$0x2] =	stream.indirect.gather [hbm4b:s4+s16], $0x80, s28, s16, $0xb8;
	[tilespmem:$0x1E800] =	vst v63  }
0x83: {  	p0 =	sne.s32 s26, $0x4800;
	_ =	swait.ge [sflag:s19], $0x4000  }
0x84: {  	[sflag:s19] =	ssyncset.done $0x0  }
0x85: {  	s26 =	sadd.s32 $0x1400, s25;
	[sflag:s19] =	ssyncadd.s32 $0xFFFFC000  }
0x86: {  	[spmem:s2] =	stream.indirect.scatter.add.f32 [tilespmem:s17], [sflag:$0x3], $0x80, s26, s16, $0xb8;
	[tilespmem:$0x1E800] =	vst v63  }
0x87: {  	_ =	swait.ge [sflag:s14], $0x4000  }
0x88: {  	[sflag:s14] =	ssyncset.done $0x0  }
0x89: {  	s26 =	sadd.s32 $0x100, s25;
	[sflag:s14] =	ssyncadd.s32 $0xFFFFC000  }
0x8a: {  	[tilespmem:s17], [sflag:$0x1] =	stream.indirect.gather [hbm4b:s4+s16], $0x80, s26, s16, $0xb8;
	[tilespmem:$0x1E800] =	vst v63  }
0x8b: {  	_ =	swait.ge [sflag:s20], $0x4000  }
.Ltmp1:
0x8c: {  	[sflag:s20] =	ssyncset.done $0x0;
	(pc) =	sbr.rel @p0 .LBB2_4-.Ltmp1, $4  }
0x8d: {  	s25 =	sadd.s32 $0x1480, s25;
	[sflag:s20] =	ssyncadd.s32 $0xFFFFC000  }
0x8e: {  	[spmem:s2] =	stream.indirect.scatter.add.f32 [tilespmem:s18], [sflag:$0x3], $0x80, s25, s16, $0xb8;
	[tilespmem:$0x1E800] =	vst v63  }
0x8f: {  	_ =	swait.ge [sflag:s14], $0x4000  }
0x90: {  	s26 =	smov.u32 s30;
	s25 =	sshra.s32 s29, $0x2;
	[sflag:s14] =	ssyncset.done $0x0  }
0x91: {  	s26 =	sadd.s32 $0x80, s25;
	[sflag:s14] =	ssyncadd.s32 $0xFFFFC000  }
0x92: {  	[tilespmem:s18], [sflag:$0x2] =	stream.indirect.gather [hbm4b:s4+s16], $0x80, s26, s16, $0xb8;
	[tilespmem:$0x1E800] =	vst v63  }
0x93: {  	_ =	swait.ge [sflag:s19], $0x4000  }
0x94: {  	[sflag:s19] =	ssyncset.done $0x0  }
0x95: {  	s29 =	sadd.s32 $0x1400, s25;
	[sflag:s19] =	ssyncadd.s32 $0xFFFFC000  }
0x96: {  	[spmem:s2] =	stream.indirect.scatter.add.f32 [tilespmem:s17], [sflag:$0x3], $0x80, s29, s16, $0xb8;
	[tilespmem:$0x1E800] =	vst v63  }
0x97: {  	_ =	swait.ge [sflag:s14], $0x4000  }
0x98: {  	[sflag:s14] =	ssyncset.done $0x0  }
0x99: {  	s30 =	sadd.s32 $0x100, s25;
	[sflag:s14] =	ssyncadd.s32 $0xFFFFC000  }
0x9a: {  	[tilespmem:s17], [sflag:$0x1] =	stream.indirect.gather [hbm4b:s4+s16], $0x80, s30, s16, $0xb8;
	[tilespmem:$0x1E800] =	vst v63  }
0x9b: {  	_ =	swait.ge [sflag:s20], $0x4000  }
0x9c: {  	[sflag:s20] =	ssyncset.done $0x0  }
0x9d: {  	s31 =	sadd.s32 $0x1480, s25;
	[sflag:s20] =	ssyncadd.s32 $0xFFFFC000  }
0x9e: {  	[spmem:s2] =	stream.indirect.scatter.add.f32 [tilespmem:s18], [sflag:$0x3], $0x80, s31, s16, $0xb8;
	[tilespmem:$0x1E800] =	vst v63  }
0x9f: {  	_ =	swait.ge [sflag:s14], $0x4000  }
0xa0: {  	[sflag:s14] =	ssyncset.done $0x0  }
0xa1: {  	[sflag:s14] =	ssyncadd.s32 $0xFFFFC000  }
0xa2: {  	[tilespmem:s18], [sflag:$0x2] =	stream.indirect.gather [hbm4b:s4+s16], $0x80, s21, s16, $0xb8;
	[tilespmem:$0x1E800] =	vst v63  }
0xa3: {  	_ =	swait.ge [sflag:s19], $0x4000  }
0xa4: {  	[sflag:s19] =	ssyncset.done $0x0  }
0xa5: {  	[sflag:s19] =	ssyncadd.s32 $0xFFFFC000  }
0xa6: {  	[spmem:s2] =	stream.indirect.scatter.add.f32 [tilespmem:s17], [sflag:$0x3], $0x80, s22, s16, $0xb8;
	[tilespmem:$0x1E800] =	vst v63  }
0xa7: {  	_ =	swait.ge [sflag:s14], $0x4000  }
0xa8: {  	[sflag:s14] =	ssyncset.done $0x0  }
0xa9: {  	[sflag:s14] =	ssyncadd.s32 $0xFFFFC000  }
0xaa: {  	[tilespmem:s17], [sflag:$0x1] =	stream.indirect.gather [hbm4b:s4+s16], $0x80, s21, s16, $0xb8;
	[tilespmem:$0x1E800] =	vst v63  }
0xab: {  	_ =	swait.ge [sflag:s20], $0x4000  }
0xac: {  	[sflag:s20] =	ssyncset.done $0x0  }
0xad: {  	[sflag:s20] =	ssyncadd.s32 $0xFFFFC000  }
0xae: {  	[spmem:s2] =	stream.indirect.scatter.add.f32 [tilespmem:s18], [sflag:$0x3], $0x80, s23, s16, $0xb8;
	[tilespmem:$0x1E800] =	vst v63  }
0xaf: {  	_ =	swait.ge [sflag:s14], $0x4000  }
0xb0: {  	[sflag:s14] =	ssyncset.done $0x0  }
0xb1: {  	[sflag:s14] =	ssyncadd.s32 $0xFFFFC000  }
0xb2: {  	_ =	swait.ge [sflag:s19], $0x4000  }
0xb3: {  	s24 =	sadd.s32 $0x1, s24;
	[sflag:s19] =	ssyncset.done $0x0  }
0xb4: {  	p0 =	sne.s32 s24, s8;
	[sflag:s19] =	ssyncadd.s32 $0xFFFFC000  }
.Ltmp2:
0xb5: {  	[bflag:$0x0] =	sbarrier.arrive $0xFFFF;
	(pc) =	sbr.rel @p0 .LBB2_1-.Ltmp2, $4  }
0xb6: {  	[hbm:s7], [sflag:s6] =	dma.local [spmem:s13], $0x2800  }
0xb7: {  	_ =	swait.ge [sflag:s14], $0x2800  }
0xb8: {  	[sflag:s14] =	ssyncset.done $0x0  }
0xb9: {  	[sflag:s14] =	ssyncadd.s32 $0xFFFFD800  }
0xba: {  	_ =	sfence.sel $0x180000  }
0xbb: {  	[bflag:$0x0] =	sbarrier.arrive $0xFFFF  }
0xbc: {  	p0 =	sne.s32 s1, $0x0;
	_ =	strace $0x9000004A  }
0xbd: {  	s0 =	sadd.s32 @!p0 $0x100000, s0;
	[bflag:$0x2] =	sbarrier.arrive $0xFFFF  }
0xbe: {  	[sflag:s0] =	ssyncadd.tile.s32 @!p0 $0x1;
	_ =	shalt  }
.Lfunc_end2:
_tile_overlayer_lowered:
.L_overlay_start_2:
0xbf: {  	(tag) =	ssettag $0x2  }
0xc0: {  	s0 =	rddreg [dreg:$0x0];
	s2 =	stileid.u32  }
0xc1: {  	s1 =	rddreg [dreg:$0x1];
	p0 =	sne.s32 s2, $0x0  }
0xc2: {  	s3 =	rddreg [dreg:$0x2];
	[bflag:$0x3] =	sbarrier.arrive $0xFFFF;
	s2 =	simm.s32 @!p0 $0x1C03  }
0xc3: {  	[timem:s3], [sflag:s2] =	dma.local @!p0 [hbm:s0], s1  }
0xc4: {  	s0 =	simm.s32 @!p0 $0x3  }
0xc5: {  	_ =	swait.ge @!p0 [sflag:s0], s1  }
0xc6: {  	s1 =	ssub.s32 @!p0 $0x0, s1;
	[sflag:s0] =	ssyncset.done @!p0 $0x0  }
0xc7: {  	[sflag:s0] =	ssyncadd.s32 @!p0 s1  }
0xc8: {  	[bflag:$0x3] =	sbarrier.arrive $0xFFFF  }
0xc9: {  	_ =	shalt  }

// kernel: kernel.14.cloned.1.call-start
scs
__scs_entry_jumppad:
0x0: {  	(pc) =	sbr.rel $0x88, $3  }
0x1: {  	(tag) =	ssettag $0x0;
	lr =	simm.s32 $0x1  }
0x2: {  	[smem:$0x3F9A] =	sst lr;
	_ =	strace $0xD0000000  }
0x3: {  	_ = 	snop  }
0x4: {  	_ = 	snop  }
0x5: {  	_ = 	snop  }
0x6: {  	_ = 	snop  }
0x7: {  	_ = 	snop  }
__scs_overlays_trampoline_lowered:
0x8: {  	[smem:$0x3FA9] =	sst s0  }
0x9: {  	[smem:$0x3FAA] =	sst s1  }
0xa: {  	[smem:$0x3FAB] =	sst s2  }
0xb: {  	[smem:$0x3FAC] =	sst s3  }
0xc: {  	[smem:$0x3FAD] =	sst s4  }
0xd: {  	[smem:$0x3FAE] =	sst s5  }
0xe: {  	[smem:$0x3FAF] =	sst s6  }
0xf: {  	[smem:$0x3FB0] =	sst s7  }
0x10: {  	[smem:$0x3FB1] =	sst s8  }
0x11: {  	[smem:$0x3FB2] =	sst s9;
	s0 =	simm.s32 @!p0 $0x0  }
0x12: {  	s1 =	sld [smem:$0x3F98];
	s0 =	simm.s32 @p0 $0x1  }
0x13: {  	[smem:$0x3FB3] =	sst s0;
	s0 =	simm.s32 @!p1 $0x0  }
0x14: {  	s2 =	sld [smem:$0x3F97];
	s0 =	simm.s32 @p1 $0x1  }
0x15: {  	[smem:$0x3FB4] =	sst s0;
	s0 =	simm.s32 @!p2 $0x0  }
0x16: {  	s3 =	sld [smem:$0x3FDB];
	s0 =	simm.s32 @p2 $0x1  }
0x17: {  	s4 =	simm.s32 $0x1BF5;
	[smem:$0x3FB6] =	sst s0  }
0x18: {  	s0 =	sld [smem:$0x3F99];
	_ =	swait.ge [sflag:s4], $0x0  }
0x19: {  	s7 =	sld [smem:$0x3F9A]  }
0x1a: {  	s8 =	sadd.s32 $0xFFFFE003, lr  }
0x1b: {  	s9 =	sadd.s32 $0xFFFFFEF7, lr;
	s5 =	simm.s32 $0xFFFFFFFF;
	p2 =	slt.u32 s8, $0xFFFFF086  }
0x1c: {  	p1 =	slt.u32 s9, $0xF7A;
	s5 =	simm.s32 @!p2 $0x0  }
0x1d: {  	s5 =	simm.s32 @p1 $0x1;
	p0 =	seq.s32 s7, s2  }
0x1e: {  	s7 =	smul.u32 @!p0 $0xF7A, s2;
	p2 =	seq.s32 @!p0 s5, $0x0  }
0x1f: {  	s9 =	smul.u32 $0xF7A, s1;
	s8 =	simm.s32 @!p0 $0x1BF5;
	p2 =	por !p2, p0  }
0x20: {  	[sflag:s8] =	ssyncset.s32 @!p0 $0xFFFFF086;
	s6 =	sadd.s32 @!p0 s3, s7;
	s7 =	simm.s32 @!p0 $0x108  }
0x21: {  	s3 =	sadd.s32 s3, s9;
	s6 =	sadd.s32 @!p0 $0x88, s6;
	s7 =	simm.s32 @p2 $0x1082  }
0x22: {  	[simem:s7], [sflag:s8] =	dma.local @!p0 [hbm:s6], $0xF7A  }
0x23: {  	s9 =	sor.u32 $0xD0000000, s2;
	s6 =	simm.s32 $0x108;
	_ =	swait.ge @!p0 [sflag:s8], $0x0  }
0x24: {  	s3 =	sadd.s32 $0x88, s3;
	s6 =	simm.s32 @!p1 $0x1082;
	[sflag:s4] =	ssyncset.s32 $0xFFFFF086  }
0x25: {  	[simem:s6], [sflag:s4] =	dma.local [hbm:s3], $0xF7A  }
0x26: {  	[smem:$0x3F9A] =	sst s1;
	(tag) =	ssettag s2;
	_ =	strace s9  }
0x27: {  	s1 =	sld [smem:$0x3FAA]  }
0x28: {  	s2 =	sld [smem:$0x3FAB]  }
0x29: {  	s4 =	sld [smem:$0x3FAD]  }
0x2a: {  	p0 =	seq.s32 s5, $0x0;
	s5 =	sld [smem:$0x3FAE]  }
0x2b: {  	s6 =	sld [smem:$0x3FAF]  }
0x2c: {  	s7 =	sld [smem:$0x3FB0]  }
0x2d: {  	s3 =	simm.s32 $0x108;
	s8 =	sld [smem:$0x3FB1]  }
0x2e: {  	s3 =	simm.s32 @!p0 $0x1082;
	s9 =	sld [smem:$0x3FB2]  }
0x2f: {  	lr =	sadd.s32 s0, s3;
	s0 =	sld [smem:$0x3FA9]  }
0x30: {  	s3 =	sld [smem:$0x3FAC]  }
0x31: {  	[smem:$0x3FB5] =	sst s10  }
0x32: {  	s10 =	sld [smem:$0x3FB3];
	_ =	sdelay $0x3  }
0x33: {  	p0 =	seq.s32 s10, $0x1;
	s10 =	sld [smem:$0x3FB5];
	_ =	sdelay $0x3  }
0x34: {  	[smem:$0x3FB5] =	sst s10  }
0x35: {  	s10 =	sld [smem:$0x3FB4];
	_ =	sdelay $0x3  }
0x36: {  	p1 =	seq.s32 s10, $0x1;
	s10 =	sld [smem:$0x3FB5];
	_ =	sdelay $0x3  }
0x37: {  	[smem:$0x3FB5] =	sst s10  }
0x38: {  	s10 =	sld [smem:$0x3FB6]  }
0x39: {  	_ = 	snop;
	(pc) =	sbr.ind lr, $3  }
0x3a: {  	_ = 	snop  }
0x3b: {  	_ = 	snop  }
0x3c: {  	p2 =	seq.s32 s10, $0x1;
	s10 =	sld [smem:$0x3FB5]  }
0x3d: {  	_ =	shalt  }
0x3e: {  	_ =	shalt  }
0x3f: {  	_ =	shalt  }
0x40: {  	_ =	shalt  }
0x41: {  	_ =	shalt  }
0x42: {  	_ =	shalt  }
0x43: {  	_ =	shalt  }
0x44: {  	_ =	shalt  }
0x45: {  	_ =	shalt  }
0x46: {  	_ =	shalt  }
0x47: {  	_ =	shalt  }
0x48: {  	_ =	shalt  }
0x49: {  	_ =	shalt  }
0x4a: {  	_ =	shalt  }
0x4b: {  	_ =	shalt  }
0x4c: {  	_ =	shalt  }
0x4d: {  	_ =	shalt  }
0x4e: {  	_ =	shalt  }
0x4f: {  	_ =	shalt  }
0x50: {  	_ =	shalt  }
0x51: {  	_ =	shalt  }
0x52: {  	_ =	shalt  }
0x53: {  	_ =	shalt  }
0x54: {  	_ =	shalt  }
0x55: {  	_ =	shalt  }
0x56: {  	_ =	shalt  }
0x57: {  	_ =	shalt  }
0x58: {  	_ =	shalt  }
0x59: {  	_ =	shalt  }
0x5a: {  	_ =	shalt  }
0x5b: {  	_ =	shalt  }
0x5c: {  	_ =	shalt  }
0x5d: {  	_ =	shalt  }
0x5e: {  	_ =	shalt  }
0x5f: {  	_ =	shalt  }
0x60: {  	_ =	shalt  }
0x61: {  	_ =	shalt  }
0x62: {  	_ =	shalt  }
0x63: {  	_ =	shalt  }
0x64: {  	_ =	shalt  }
0x65: {  	_ =	shalt  }
0x66: {  	_ =	shalt  }
0x67: {  	_ =	shalt  }
0x68: {  	_ =	shalt  }
0x69: {  	_ =	shalt  }
0x6a: {  	_ =	shalt  }
0x6b: {  	_ =	shalt  }
0x6c: {  	_ =	shalt  }
0x6d: {  	_ =	shalt  }
0x6e: {  	_ =	shalt  }
0x6f: {  	_ =	shalt  }
0x70: {  	_ =	shalt  }
0x71: {  	_ =	shalt  }
0x72: {  	_ =	shalt  }
0x73: {  	_ =	shalt  }
0x74: {  	_ =	shalt  }
0x75: {  	_ =	shalt  }
0x76: {  	_ =	shalt  }
0x77: {  	_ =	shalt  }
0x78: {  	_ =	shalt  }
0x79: {  	_ =	shalt  }
0x7a: {  	_ =	shalt  }
0x7b: {  	_ =	shalt  }
0x7c: {  	_ =	shalt  }
0x7d: {  	_ =	shalt  }
0x7e: {  	_ =	shalt  }
0x7f: {  	_ =	shalt  }
0x80: {  	_ =	shalt  }
0x81: {  	_ =	shalt  }
0x82: {  	_ =	shalt  }
0x83: {  	_ =	shalt  }
0x84: {  	_ =	shalt  }
0x85: {  	_ =	shalt  }
0x86: {  	_ =	shalt  }
0x87: {  	_ =	shalt  }
.Lfunc_end0:
.L_simem_size_0:
called_computation.2_lowered:
.L_overlay_start_0:
0x88: {  	s2 =	sld [smem:$0x3FD9]  }
0x89: {  	s3 =	sld [smem:$0x3FFE];
	_ =	sdelay $0x1  }
0x8a: {  	s1 =	srdreg.scid  }
0x8b: {  	s0 =	sand.u32 $0x1, s1  }
0x8c: {  	s17 =	sshll.u32 s0, $0xA;
	s2 =	sadd.s32 s3, s2  }
0x8d: {  	s2 =	sadd.s32 s2, s17  }
0x8e: {  	[smem:$0x3FC1] =	sst s2  }
0x8f: {  	_ = 	snop  }
0x90: {  	s2 =	sld [smem:$0x3FD0];
	(tm) =	ssettm $0x1  }
0x91: {  	s18 =	sld [smem:$0x3FFB];
	_ =	sdelay $0x3  }
0x92: {  	_ =	strace s18  }
0x93: {  	s3 =	sld [smem:$0x3FFC];
	_ =	sdelay $0x3  }
0x94: {  	_ =	strace s3  }
0x95: {  	s3 =	sld [smem:$0x3FFD];
	_ =	sdelay $0x3  }
0x96: {  	_ =	strace s3  }
0x97: {  	_ =	strace $0x8FFFFFFF  }
0x98: {  	s19 =	sld [smem:$0x3FDB];
	_ =	sdelay $0x1  }
0x99: {  	s4 =	simm.s32 $_scs_section_size  }
0x9a: {  	s5 =	simm.s32 $_size__tile_overlayer_lowered;
	s6 =	simm.s32 $_tile_overlayer_lowered  }
0x9b: {  	s22 =	simm.s32 $0x1BFF;
	s21 =	sshll.u32 s6, $0x1;
	s3 =	sadd.s32 s4, s19  }
0x9c: {  	s7 =	simm.s32 $0x0;
	s20 =	sshll.u32 s5, $0x1;
	s5 =	sadd.s32 s21, s3  }
0x9d: {  	[timem:s7], [sflag:s22] =	dma.local [hbm:s5], s20  }
0x9e: {  	_ =	swait.ge [sflag:s22], s20  }
0x9f: {  	s4 =	ssub.s32 $0x0, s20;
	[sflag:s22] =	ssyncset.done $0x0  }
0xa0: {  	[sflag:s22] =	ssyncadd.s32 s4;
	_ =	sdelay $0x1  }
0xa1: {  	s23 =	simm.s32 $0x1B8B  }
0xa2: {  	_ =	swait.ge [sflag:s23], $0x1  }
0xa3: {  	[sflag:s23] =	ssyncset.done $0x0  }
0xa4: {  	s25 =	simm.s32 $0x1B8E;
	s24 =	sld [smem:$0x3FFE];
	[sflag:s23] =	ssyncadd.s32 $0xFFFFFFFF  }
0xa5: {  	s26 =	simm.s32 $execute0_lowered;
	[smem:$0x3FD2] =	sst s25  }
0xa6: {  	s5 =	sshll.u32 s26, $0x1;
	_ =	strace $0x8000004C;
	[dreg:$0x1] =	wrdreg $0xFFFFFFFF  }
0xa7: {  	s28 =	simm.s32 $_size_execute0_lowered;
	s3 =	sadd.s32 s3, s5;
	[dreg:$0x0] =	wrdreg $0x0  }
0xa8: {  	s5 =	sshll.u32 s28, $0x1;
	[dreg:$0x2] =	wrdreg s3  }
0xa9: {  	[dreg:$0x3] =	wrdreg s5  }
0xaa: {  	[dreg:$0x4] =	wrdreg $0xC0  }
0xab: {  	_ =	task [dreg:s7], $0x5FFFF  }
0xac: {  	[dreg:$0x1] =	wrdreg $0xFFFFFFFF  }
0xad: {  	[dreg:$0x0] =	wrdreg $0x60  }
0xae: {  	[dreg:$0x2] =	wrdreg s24  }
0xaf: {  	[dreg:$0x3] =	wrdreg s2  }
0xb0: {  	[dreg:$0x4] =	wrdreg $0xA8000  }
0xb1: {  	[dreg:$0x5] =	wrdreg $0x9  }
0xb2: {  	_ =	task.clear_ibuf [dreg:s7], $0x6FFFF;
	_ =	strace $0x9000004C  }
0xb3: {  	s29 =	simm.s32 $0x9;
	_ =	strace $0x8000004E  }
0xb4: {  	_ =	swait.ge [sflag:s29], $0x1  }
0xb5: {  	[sflag:s29] =	ssyncadd.s32 $0xFFFFFFFF  }
0xb6: {  	_ =	strace $0x9000004E  }
0xb7: {  	_ =	sfence  }
0xb8: {  	s30 =	sld [smem:$0x0];
	_ =	sdelay $0x2  }
0xb9: {  	s31 =	sshll.u32 s1, $0xD;
	s1 =	sshrl.u32 s1, $0x2  }
0xba: {  	s3 =	sand.u32 $0x4000, s31;
	s1 =	sadd.s32 s1, s30  }
0xbb: {  	s0 =	sor.u32 s3, s0;
	s1 =	sshll.u32 s1, $0x11  }
0xbc: {  	s0 =	sor.u32 s1, s0  }
0xbd: {  	s0 =	sadd.s32 $0x8F2B, s0  }
0xbe: {  	[sflag:s0] =	ssyncadd.remote.s32 $0x1  }
0xbf: {  	_ =	sfence.sel $0xFFFF  }
0xc0: {  	[dreg:$0x0] =	wrdreg $0xFFFFFFFF;
	(pc) =	sbr.abs _section_cstart, $3  }
0xc1: {  	[dreg:$0x1] =	wrdreg $0xFFFFFFFF  }
0xc2: {  	_ =	task.clear_ibuf [dreg:s7], $0x2FFFF;
	_ =	strace $0x9FFFFFFF  }
0xc3: {  	(tm) =	ssettm $0x7FFFFFFF  }
tec
execute0_lowered:
.L_overlay_start_1:
0x0: {  	(tag) =	ssettag $0x1  }
0x1: {  	s5 =	rddreg [dreg:$0x0]  }
0x2: {  	s12 =	rddreg [dreg:$0x1]  }
0x3: {  	s2 =	rddreg [dreg:$0x2]  }
0x4: {  	s0 =	rddreg [dreg:$0x3];
	s1 =	stileid.u32  }
0x5: {  	s4 =	srdreg.scid;
	s3 =	simm.s32 $0x0;
	s15 =	simm.s32 $0x1400  }
0x6: {  	s16 =	simm.s32 $0x80;
	s17 =	simm.s32 $0x2800;
	s18 =	simm.s32 $0x6800  }
0x7: {  	s19 =	simm.s32 $0x1;
	s20 =	simm.s32 $0x2;
	s21 =	simm.s32 $0x1380  }
0x8: {  	s22 =	simm.s32 $0x2700;
	s6 =	smul.u32 $0x14000, s1;
	s7 =	sand.u32 $0x1, s4  }
0x9: {  	[smem:$0x7FF] =	sst s3;
	s4 =	sadd.s32 $0x85800, s5;
	s11 =	sadd.s32 $0x2800, s5  }
0xa: {  	s10 =	smul.u32 $0x50000, s1;
	s25 =	sshll.u32 s1, $0x1;
	s29 =	sshll.u32 s1, $0x6  }
0xb: {  	s8 =	smul.u32 $0x140000, s7;
	_ =	strace $0x8000004D;
	s23 =	ssub.s32 $0x2, s7  }
0xc: {  	s26 =	sor.u32 s7, s25;
	s9 =	sshrl.u32 s6, $0x3;
	s24 =	sshrl.u32 s23, $0x1  }
0xd: {  	s28 =	sshrl.u32 s10, $0x2;
	s30 =	smul.u32 $0x500, s26;
	s9 =	sadd.s32 s9, s5  }
0xe: {  	s6 =	sadd.s32 s6, s8;
	s8 =	ssub.s32 s23, s24;
	s14 =	sadd.s32 s28, s2  }
0xf: {  	s23 =	simm.s32 $0x2780;
	s24 =	simm.s32 $0x0;
	s6 =	sshrl.u32 s6, $0x3  }
0x10: {  	s8 =	smax.u32 s8, $0x1;
	s31 =	sadd.s32 $0x280, s30;
	s10 =	sadd.s32 s12, s30  }
0x11: {  	s13 =	sadd.s32 s6, s5;
	s5 =	sadd.s32 $0xD800, s9;
	s6 =	sor.u32 $0x1C03, s29  }
0x12: {  	s9 =	sadd.s32 s11, s30;
	s11 =	sadd.s32 s11, s31;
	s12 =	sadd.s32 s12, s31  }
0x13: {  	s7 =	sadd.s32 $0xAD800, s13;
	s13 =	sshrl.u32 s14, $0x3;
	s14 =	simm.s32 $0x3  }
.LBB2_1:
0x14: {  	[spmem:s13], [sflag:s6] =	dma.local [hbm:s5], $0x2800  }
0x15: {  	_ =	swait.ge [sflag:s14], $0x2800  }
0x16: {  	[sflag:s14] =	ssyncset.done $0x0  }
0x17: {  	[sflag:s14] =	ssyncadd.s32 $0xFFFFD800  }
0x18: {  	[bflag:$0x0] =	sbarrier.arrive $0xFFFF  }
0x19: {  	[tilespmem:s3], [sflag:$0x3] =	stream.linear.gather [hbm4b:s9+s3], $0x1400, $0x38;
	[tilespmem:$0x1E800] =	vst v63  }
0x1a: {  	_ =	swait.ge [sflag:s14], $0x1400  }
0x1b: {  	[sflag:s14] =	ssyncset.done $0x0  }
0x1c: {  	[sflag:s14] =	ssyncadd.s32 $0xFFFFEC00  }
0x1d: {  	[tilespmem:s15], [sflag:$0x3] =	stream.linear.gather [hbm4b:s10+s3], $0x1400, $0x38;
	[tilespmem:$0x1E800] =	vst v63  }
0x1e: {  	_ =	swait.ge [sflag:s14], $0x1400  }
0x1f: {  	[sflag:s14] =	ssyncset.done $0x0  }
0x20: {  	[sflag:s14] =	ssyncadd.s32 $0xFFFFEC00  }
0x21: {  	[tilespmem:s17], [sflag:$0x1] =	stream.indirect.gather [hbm4b:s4+s16], $0x80, s3, s16, $0xb8;
	[tilespmem:$0x1E800] =	vst v63  }
0x22: {  	s25 =	simm.s32 $0x80  }
0x23: {  	[tilespmem:s18], [sflag:$0x2] =	stream.indirect.gather [hbm4b:s4+s16], $0x80, s25, s16, $0xb8;
	[tilespmem:$0x1E800] =	vst v63  }
0x24: {  	_ =	swait.ge [sflag:s19], $0x4000  }
0x25: {  	[sflag:s19] =	ssyncset.done $0x0  }
0x26: {  	s29 =	simm.s32 $0x1400;
	[sflag:s19] =	ssyncadd.s32 $0xFFFFC000  }
0x27: {  	[spmem:s2] =	stream.indirect.scatter.add.f32 [tilespmem:s17], [sflag:$0x3], $0x80, s29, s16, $0xb8;
	[tilespmem:$0x1E800] =	vst v63  }
0x28: {  	_ =	swait.ge [sflag:s14], $0x4000  }
0x29: {  	[sflag:s14] =	ssyncset.done $0x0  }
0x2a: {  	s30 =	simm.s32 $0x100;
	[sflag:s14] =	ssyncadd.s32 $0xFFFFC000  }
0x2b: {  	[tilespmem:s17], [sflag:$0x1] =	stream.indirect.gather [hbm4b:s4+s16], $0x80, s30, s16, $0xb8;
	[tilespmem:$0x1E800] =	vst v63  }
0x2c: {  	_ =	swait.ge [sflag:s20], $0x4000  }
0x2d: {  	[sflag:s20] =	ssyncset.done $0x0  }
0x2e: {  	s31 =	simm.s32 $0x1480;
	[sflag:s20] =	ssyncadd.s32 $0xFFFFC000  }
0x2f: {  	[spmem:s2] =	stream.indirect.scatter.add.f32 [tilespmem:s18], [sflag:$0x3], $0x80, s31, s16, $0xb8;
	[tilespmem:$0x1E800] =	vst v63  }
0x30: {  	_ =	swait.ge [sflag:s14], $0x4000  }
0x31: {  	s26 =	simm.s32 $0x800;
	s25 =	simm.s32 $0x100;
	[sflag:s14] =	ssyncset.done $0x0  }
.LBB2_2:
0x32: {  	s28 =	sadd.s32 $0x80, s25  }
0x33: {  	[sflag:s14] =	ssyncadd.s32 $0xFFFFC000;
	s29 =	smov.u32 s26;
	s30 =	sadd.s32 $0x400, s26  }
0x34: {  	[tilespmem:s18], [sflag:$0x2] =	stream.indirect.gather [hbm4b:s4+s16], $0x80, s28, s16, $0xb8;
	[tilespmem:$0x1E800] =	vst v63  }
0x35: {  	p0 =	sne.s32 s26, $0x4800;
	_ =	swait.ge [sflag:s19], $0x4000  }
0x36: {  	[sflag:s19] =	ssyncset.done $0x0  }
0x37: {  	s26 =	sadd.s32 $0x1400, s25;
	[sflag:s19] =	ssyncadd.s32 $0xFFFFC000  }
0x38: {  	[spmem:s2] =	stream.indirect.scatter.add.f32 [tilespmem:s17], [sflag:$0x3], $0x80, s26, s16, $0xb8;
	[tilespmem:$0x1E800] =	vst v63  }
0x39: {  	_ =	swait.ge [sflag:s14], $0x4000  }
0x3a: {  	[sflag:s14] =	ssyncset.done $0x0  }
0x3b: {  	s26 =	sadd.s32 $0x100, s25;
	[sflag:s14] =	ssyncadd.s32 $0xFFFFC000  }
0x3c: {  	[tilespmem:s17], [sflag:$0x1] =	stream.indirect.gather [hbm4b:s4+s16], $0x80, s26, s16, $0xb8;
	[tilespmem:$0x1E800] =	vst v63  }
0x3d: {  	_ =	swait.ge [sflag:s20], $0x4000  }
.Ltmp0:
0x3e: {  	[sflag:s20] =	ssyncset.done $0x0;
	(pc) =	sbr.rel @p0 .LBB2_2-.Ltmp0, $4  }
0x3f: {  	s25 =	sadd.s32 $0x1480, s25;
	[sflag:s20] =	ssyncadd.s32 $0xFFFFC000  }
0x40: {  	[spmem:s2] =	stream.indirect.scatter.add.f32 [tilespmem:s18], [sflag:$0x3], $0x80, s25, s16, $0xb8;
	[tilespmem:$0x1E800] =	vst v63  }
0x41: {  	_ =	swait.ge [sflag:s14], $0x4000  }
0x42: {  	s26 =	smov.u32 s30;
	s25 =	sshra.s32 s29, $0x2;
	[sflag:s14] =	ssyncset.done $0x0  }
0x43: {  	s26 =	sadd.s32 $0x80, s25;
	[sflag:s14] =	ssyncadd.s32 $0xFFFFC000  }
0x44: {  	[tilespmem:s18], [sflag:$0x2] =	stream.indirect.gather [hbm4b:s4+s16], $0x80, s26, s16, $0xb8;
	[tilespmem:$0x1E800] =	vst v63  }
0x45: {  	_ =	swait.ge [sflag:s19], $0x4000  }
0x46: {  	[sflag:s19] =	ssyncset.done $0x0  }
0x47: {  	s29 =	sadd.s32 $0x1400, s25;
	[sflag:s19] =	ssyncadd.s32 $0xFFFFC000  }
0x48: {  	[spmem:s2] =	stream.indirect.scatter.add.f32 [tilespmem:s17], [sflag:$0x3], $0x80, s29, s16, $0xb8;
	[tilespmem:$0x1E800] =	vst v63  }
0x49: {  	_ =	swait.ge [sflag:s14], $0x4000  }
0x4a: {  	[sflag:s14] =	ssyncset.done $0x0  }
0x4b: {  	s30 =	sadd.s32 $0x100, s25;
	[sflag:s14] =	ssyncadd.s32 $0xFFFFC000  }
0x4c: {  	[tilespmem:s17], [sflag:$0x1] =	stream.indirect.gather [hbm4b:s4+s16], $0x80, s30, s16, $0xb8;
	[tilespmem:$0x1E800] =	vst v63  }
0x4d: {  	_ =	swait.ge [sflag:s20], $0x4000  }
0x4e: {  	[sflag:s20] =	ssyncset.done $0x0  }
0x4f: {  	s31 =	sadd.s32 $0x1480, s25;
	[sflag:s20] =	ssyncadd.s32 $0xFFFFC000  }
0x50: {  	[spmem:s2] =	stream.indirect.scatter.add.f32 [tilespmem:s18], [sflag:$0x3], $0x80, s31, s16, $0xb8;
	[tilespmem:$0x1E800] =	vst v63  }
0x51: {  	_ =	swait.ge [sflag:s14], $0x4000  }
0x52: {  	[sflag:s14] =	ssyncset.done $0x0  }
0x53: {  	[sflag:s14] =	ssyncadd.s32 $0xFFFFC000  }
0x54: {  	[tilespmem:s18], [sflag:$0x2] =	stream.indirect.gather [hbm4b:s4+s16], $0x80, s21, s16, $0xb8;
	[tilespmem:$0x1E800] =	vst v63  }
0x55: {  	_ =	swait.ge [sflag:s19], $0x4000  }
0x56: {  	[sflag:s19] =	ssyncset.done $0x0  }
0x57: {  	[sflag:s19] =	ssyncadd.s32 $0xFFFFC000  }
0x58: {  	[spmem:s2] =	stream.indirect.scatter.add.f32 [tilespmem:s17], [sflag:$0x3], $0x80, s22, s16, $0xb8;
	[tilespmem:$0x1E800] =	vst v63  }
0x59: {  	_ =	swait.ge [sflag:s14], $0x4000  }
0x5a: {  	[sflag:s14] =	ssyncset.done $0x0  }
0x5b: {  	[sflag:s14] =	ssyncadd.s32 $0xFFFFC000  }
0x5c: {  	[tilespmem:s17], [sflag:$0x1] =	stream.indirect.gather [hbm4b:s4+s16], $0x80, s21, s16, $0xb8;
	[tilespmem:$0x1E800] =	vst v63  }
0x5d: {  	_ =	swait.ge [sflag:s20], $0x4000  }
0x5e: {  	[sflag:s20] =	ssyncset.done $0x0  }
0x5f: {  	[sflag:s20] =	ssyncadd.s32 $0xFFFFC000  }
0x60: {  	[spmem:s2] =	stream.indirect.scatter.add.f32 [tilespmem:s18], [sflag:$0x3], $0x80, s23, s16, $0xb8;
	[tilespmem:$0x1E800] =	vst v63  }
0x61: {  	_ =	swait.ge [sflag:s14], $0x4000  }
0x62: {  	[sflag:s14] =	ssyncset.done $0x0  }
0x63: {  	[sflag:s14] =	ssyncadd.s32 $0xFFFFC000  }
0x64: {  	_ =	swait.ge [sflag:s19], $0x4000  }
0x65: {  	[sflag:s19] =	ssyncset.done $0x0  }
0x66: {  	s26 =	simm.s32 $0x0;
	[sflag:s19] =	ssyncadd.s32 $0xFFFFC000  }
0x67: {  	[tilespmem:s26], [sflag:$0x3] =	stream.linear.gather [hbm4b:s11+s26], $0x1400, $0x38;
	[tilespmem:$0x1E800] =	vst v63  }
0x68: {  	_ =	swait.ge [sflag:s14], $0x1400  }
0x69: {  	[sflag:s14] =	ssyncset.done $0x0  }
0x6a: {  	[sflag:s14] =	ssyncadd.s32 $0xFFFFEC00  }
0x6b: {  	[tilespmem:s15], [sflag:$0x3] =	stream.linear.gather [hbm4b:s12+s26], $0x1400, $0x38;
	[tilespmem:$0x1E800] =	vst v63  }
0x6c: {  	_ =	swait.ge [sflag:s14], $0x1400  }
0x6d: {  	[sflag:s14] =	ssyncset.done $0x0  }
0x6e: {  	[sflag:s14] =	ssyncadd.s32 $0xFFFFEC00  }
0x6f: {  	[tilespmem:s17], [sflag:$0x1] =	stream.indirect.gather [hbm4b:s4+s16], $0x80, s26, s16, $0xb8;
	[tilespmem:$0x1E800] =	vst v63  }
0x70: {  	s28 =	simm.s32 $0x80  }
0x71: {  	[tilespmem:s18], [sflag:$0x2] =	stream.indirect.gather [hbm4b:s4+s16], $0x80, s28, s16, $0xb8;
	[tilespmem:$0x1E800] =	vst v63  }
0x72: {  	_ =	swait.ge [sflag:s19], $0x4000  }
0x73: {  	[sflag:s19] =	ssyncset.done $0x0  }
0x74: {  	s29 =	simm.s32 $0x1400;
	[sflag:s19] =	ssyncadd.s32 $0xFFFFC000  }
0x75: {  	[spmem:s2] =	stream.indirect.scatter.add.f32 [tilespmem:s17], [sflag:$0x3], $0x80, s29, s16, $0xb8;
	[tilespmem:$0x1E800] =	vst v63  }
0x76: {  	_ =	swait.ge [sflag:s14], $0x4000  }
0x77: {  	[sflag:s14] =	ssyncset.done $0x0  }
0x78: {  	s30 =	simm.s32 $0x100;
	[sflag:s14] =	ssyncadd.s32 $0xFFFFC000  }
0x79: {  	[tilespmem:s17], [sflag:$0x1] =	stream.indirect.gather [hbm4b:s4+s16], $0x80, s30, s16, $0xb8;
	[tilespmem:$0x1E800] =	vst v63  }
0x7a: {  	_ =	swait.ge [sflag:s20], $0x4000  }
0x7b: {  	[sflag:s20] =	ssyncset.done $0x0  }
0x7c: {  	s31 =	simm.s32 $0x1480;
	[sflag:s20] =	ssyncadd.s32 $0xFFFFC000  }
0x7d: {  	[spmem:s2] =	stream.indirect.scatter.add.f32 [tilespmem:s18], [sflag:$0x3], $0x80, s31, s16, $0xb8;
	[tilespmem:$0x1E800] =	vst v63  }
0x7e: {  	_ =	swait.ge [sflag:s14], $0x4000  }
0x7f: {  	s25 =	simm.s32 $0x100;
	s26 =	simm.s32 $0x800;
	[sflag:s14] =	ssyncset.done $0x0  }
.LBB2_4:
0x80: {  	s28 =	sadd.s32 $0x80, s25  }
0x81: {  	[sflag:s14] =	ssyncadd.s32 $0xFFFFC000;
	s29 =	smov.u32 s26;
	s30 =	sadd.s32 $0x400, s26  }
0x82: {  	[tilespmem:s18], [sflag:$0x2] =	stream.indirect.gather [hbm4b:s4+s16], $0x80, s28, s16, $0xb8;
	[tilespmem:$0x1E800] =	vst v63  }
0x83: {  	p0 =	sne.s32 s26, $0x4800;
	_ =	swait.ge [sflag:s19], $0x4000  }
0x84: {  	[sflag:s19] =	ssyncset.done $0x0  }
0x85: {  	s26 =	sadd.s32 $0x1400, s25;
	[sflag:s19] =	ssyncadd.s32 $0xFFFFC000  }
0x86: {  	[spmem:s2] =	stream.indirect.scatter.add.f32 [tilespmem:s17], [sflag:$0x3], $0x80, s26, s16, $0xb8;
	[tilespmem:$0x1E800] =	vst v63  }
0x87: {  	_ =	swait.ge [sflag:s14], $0x4000  }
0x88: {  	[sflag:s14] =	ssyncset.done $0x0  }
0x89: {  	s26 =	sadd.s32 $0x100, s25;
	[sflag:s14] =	ssyncadd.s32 $0xFFFFC000  }
0x8a: {  	[tilespmem:s17], [sflag:$0x1] =	stream.indirect.gather [hbm4b:s4+s16], $0x80, s26, s16, $0xb8;
	[tilespmem:$0x1E800] =	vst v63  }
0x8b: {  	_ =	swait.ge [sflag:s20], $0x4000  }
.Ltmp1:
0x8c: {  	[sflag:s20] =	ssyncset.done $0x0;
	(pc) =	sbr.rel @p0 .LBB2_4-.Ltmp1, $4  }
0x8d: {  	s25 =	sadd.s32 $0x1480, s25;
	[sflag:s20] =	ssyncadd.s32 $0xFFFFC000  }
0x8e: {  	[spmem:s2] =	stream.indirect.scatter.add.f32 [tilespmem:s18], [sflag:$0x3], $0x80, s25, s16, $0xb8;
	[tilespmem:$0x1E800] =	vst v63  }
0x8f: {  	_ =	swait.ge [sflag:s14], $0x4000  }
0x90: {  	s26 =	smov.u32 s30;
	s25 =	sshra.s32 s29, $0x2;
	[sflag:s14] =	ssyncset.done $0x0  }
0x91: {  	s26 =	sadd.s32 $0x80, s25;
	[sflag:s14] =	ssyncadd.s32 $0xFFFFC000  }
0x92: {  	[tilespmem:s18], [sflag:$0x2] =	stream.indirect.gather [hbm4b:s4+s16], $0x80, s26, s16, $0xb8;
	[tilespmem:$0x1E800] =	vst v63  }
0x93: {  	_ =	swait.ge [sflag:s19], $0x4000  }
0x94: {  	[sflag:s19] =	ssyncset.done $0x0  }
0x95: {  	s29 =	sadd.s32 $0x1400, s25;
	[sflag:s19] =	ssyncadd.s32 $0xFFFFC000  }
0x96: {  	[spmem:s2] =	stream.indirect.scatter.add.f32 [tilespmem:s17], [sflag:$0x3], $0x80, s29, s16, $0xb8;
	[tilespmem:$0x1E800] =	vst v63  }
0x97: {  	_ =	swait.ge [sflag:s14], $0x4000  }
0x98: {  	[sflag:s14] =	ssyncset.done $0x0  }
0x99: {  	s30 =	sadd.s32 $0x100, s25;
	[sflag:s14] =	ssyncadd.s32 $0xFFFFC000  }
0x9a: {  	[tilespmem:s17], [sflag:$0x1] =	stream.indirect.gather [hbm4b:s4+s16], $0x80, s30, s16, $0xb8;
	[tilespmem:$0x1E800] =	vst v63  }
0x9b: {  	_ =	swait.ge [sflag:s20], $0x4000  }
0x9c: {  	[sflag:s20] =	ssyncset.done $0x0  }
0x9d: {  	s31 =	sadd.s32 $0x1480, s25;
	[sflag:s20] =	ssyncadd.s32 $0xFFFFC000  }
0x9e: {  	[spmem:s2] =	stream.indirect.scatter.add.f32 [tilespmem:s18], [sflag:$0x3], $0x80, s31, s16, $0xb8;
	[tilespmem:$0x1E800] =	vst v63  }
0x9f: {  	_ =	swait.ge [sflag:s14], $0x4000  }
0xa0: {  	[sflag:s14] =	ssyncset.done $0x0  }
0xa1: {  	[sflag:s14] =	ssyncadd.s32 $0xFFFFC000  }
0xa2: {  	[tilespmem:s18], [sflag:$0x2] =	stream.indirect.gather [hbm4b:s4+s16], $0x80, s21, s16, $0xb8;
	[tilespmem:$0x1E800] =	vst v63  }
0xa3: {  	_ =	swait.ge [sflag:s19], $0x4000  }
0xa4: {  	[sflag:s19] =	ssyncset.done $0x0  }
0xa5: {  	[sflag:s19] =	ssyncadd.s32 $0xFFFFC000  }
0xa6: {  	[spmem:s2] =	stream.indirect.scatter.add.f32 [tilespmem:s17], [sflag:$0x3], $0x80, s22, s16, $0xb8;
	[tilespmem:$0x1E800] =	vst v63  }
0xa7: {  	_ =	swait.ge [sflag:s14], $0x4000  }
0xa8: {  	[sflag:s14] =	ssyncset.done $0x0  }
0xa9: {  	[sflag:s14] =	ssyncadd.s32 $0xFFFFC000  }
0xaa: {  	[tilespmem:s17], [sflag:$0x1] =	stream.indirect.gather [hbm4b:s4+s16], $0x80, s21, s16, $0xb8;
	[tilespmem:$0x1E800] =	vst v63  }
0xab: {  	_ =	swait.ge [sflag:s20], $0x4000  }
0xac: {  	[sflag:s20] =	ssyncset.done $0x0  }
0xad: {  	[sflag:s20] =	ssyncadd.s32 $0xFFFFC000  }
0xae: {  	[spmem:s2] =	stream.indirect.scatter.add.f32 [tilespmem:s18], [sflag:$0x3], $0x80, s23, s16, $0xb8;
	[tilespmem:$0x1E800] =	vst v63  }
0xaf: {  	_ =	swait.ge [sflag:s14], $0x4000  }
0xb0: {  	[sflag:s14] =	ssyncset.done $0x0  }
0xb1: {  	[sflag:s14] =	ssyncadd.s32 $0xFFFFC000  }
0xb2: {  	_ =	swait.ge [sflag:s19], $0x4000  }
0xb3: {  	s24 =	sadd.s32 $0x1, s24;
	[sflag:s19] =	ssyncset.done $0x0  }
0xb4: {  	p0 =	sne.s32 s24, s8;
	[sflag:s19] =	ssyncadd.s32 $0xFFFFC000  }
.Ltmp2:
0xb5: {  	[bflag:$0x0] =	sbarrier.arrive $0xFFFF;
	(pc) =	sbr.rel @p0 .LBB2_1-.Ltmp2, $4  }
0xb6: {  	[hbm:s7], [sflag:s6] =	dma.local [spmem:s13], $0x2800  }
0xb7: {  	_ =	swait.ge [sflag:s14], $0x2800  }
0xb8: {  	[sflag:s14] =	ssyncset.done $0x0  }
0xb9: {  	[sflag:s14] =	ssyncadd.s32 $0xFFFFD800  }
0xba: {  	_ =	sfence.sel $0x180000  }
0xbb: {  	[bflag:$0x0] =	sbarrier.arrive $0xFFFF  }
0xbc: {  	p0 =	sne.s32 s1, $0x0;
	_ =	strace $0x9000004D  }
0xbd: {  	s0 =	sadd.s32 @!p0 $0x100000, s0;
	[bflag:$0x2] =	sbarrier.arrive $0xFFFF  }
0xbe: {  	[sflag:s0] =	ssyncadd.tile.s32 @!p0 $0x1;
	_ =	shalt  }
.Lfunc_end2:
_tile_overlayer_lowered:
.L_overlay_start_2:
0xbf: {  	(tag) =	ssettag $0x2  }
0xc0: {  	s0 =	rddreg [dreg:$0x0];
	s2 =	stileid.u32  }
0xc1: {  	s1 =	rddreg [dreg:$0x1];
	p0 =	sne.s32 s2, $0x0  }
0xc2: {  	s3 =	rddreg [dreg:$0x2];
	[bflag:$0x3] =	sbarrier.arrive $0xFFFF;
	s2 =	simm.s32 @!p0 $0x1C03  }
0xc3: {  	[timem:s3], [sflag:s2] =	dma.local @!p0 [hbm:s0], s1  }
0xc4: {  	s0 =	simm.s32 @!p0 $0x3  }
0xc5: {  	_ =	swait.ge @!p0 [sflag:s0], s1  }
0xc6: {  	s1 =	ssub.s32 @!p0 $0x0, s1;
	[sflag:s0] =	ssyncset.done @!p0 $0x0  }
0xc7: {  	[sflag:s0] =	ssyncadd.s32 @!p0 s1  }
0xc8: {  	[bflag:$0x3] =	sbarrier.arrive $0xFFFF  }
0xc9: {  	_ =	shalt  }

// kernel: kernel.8.cloned.1.call-start
scs
__scs_entry_jumppad:
0x0: {  	(pc) =	sbr.rel $0x88, $3  }
0x1: {  	(tag) =	ssettag $0x0;
	lr =	simm.s32 $0x1  }
0x2: {  	[smem:$0x3F9A] =	sst lr;
	_ =	strace $0xD0000000  }
0x3: {  	_ = 	snop  }
0x4: {  	_ = 	snop  }
0x5: {  	_ = 	snop  }
0x6: {  	_ = 	snop  }
0x7: {  	_ = 	snop  }
__scs_overlays_trampoline_lowered:
0x8: {  	[smem:$0x3FA9] =	sst s0  }
0x9: {  	[smem:$0x3FAA] =	sst s1  }
0xa: {  	[smem:$0x3FAB] =	sst s2  }
0xb: {  	[smem:$0x3FAC] =	sst s3  }
0xc: {  	[smem:$0x3FAD] =	sst s4  }
0xd: {  	[smem:$0x3FAE] =	sst s5  }
0xe: {  	[smem:$0x3FAF] =	sst s6  }
0xf: {  	[smem:$0x3FB0] =	sst s7  }
0x10: {  	[smem:$0x3FB1] =	sst s8  }
0x11: {  	[smem:$0x3FB2] =	sst s9;
	s0 =	simm.s32 @!p0 $0x0  }
0x12: {  	s1 =	sld [smem:$0x3F98];
	s0 =	simm.s32 @p0 $0x1  }
0x13: {  	[smem:$0x3FB3] =	sst s0;
	s0 =	simm.s32 @!p1 $0x0  }
0x14: {  	s2 =	sld [smem:$0x3F97];
	s0 =	simm.s32 @p1 $0x1  }
0x15: {  	[smem:$0x3FB4] =	sst s0;
	s0 =	simm.s32 @!p2 $0x0  }
0x16: {  	s3 =	sld [smem:$0x3FDB];
	s0 =	simm.s32 @p2 $0x1  }
0x17: {  	s4 =	simm.s32 $0x1BF5;
	[smem:$0x3FB6] =	sst s0  }
0x18: {  	s0 =	sld [smem:$0x3F99];
	_ =	swait.ge [sflag:s4], $0x0  }
0x19: {  	s7 =	sld [smem:$0x3F9A]  }
0x1a: {  	s8 =	sadd.s32 $0xFFFFE003, lr  }
0x1b: {  	s9 =	sadd.s32 $0xFFFFFEF7, lr;
	s5 =	simm.s32 $0xFFFFFFFF;
	p2 =	slt.u32 s8, $0xFFFFF086  }
0x1c: {  	p1 =	slt.u32 s9, $0xF7A;
	s5 =	simm.s32 @!p2 $0x0  }
0x1d: {  	s5 =	simm.s32 @p1 $0x1;
	p0 =	seq.s32 s7, s2  }
0x1e: {  	s7 =	smul.u32 @!p0 $0xF7A, s2;
	p2 =	seq.s32 @!p0 s5, $0x0  }
0x1f: {  	s9 =	smul.u32 $0xF7A, s1;
	s8 =	simm.s32 @!p0 $0x1BF5;
	p2 =	por !p2, p0  }
0x20: {  	[sflag:s8] =	ssyncset.s32 @!p0 $0xFFFFF086;
	s6 =	sadd.s32 @!p0 s3, s7;
	s7 =	simm.s32 @!p0 $0x108  }
0x21: {  	s3 =	sadd.s32 s3, s9;
	s6 =	sadd.s32 @!p0 $0x88, s6;
	s7 =	simm.s32 @p2 $0x1082  }
0x22: {  	[simem:s7], [sflag:s8] =	dma.local @!p0 [hbm:s6], $0xF7A  }
0x23: {  	s9 =	sor.u32 $0xD0000000, s2;
	s6 =	simm.s32 $0x108;
	_ =	swait.ge @!p0 [sflag:s8], $0x0  }
0x24: {  	s3 =	sadd.s32 $0x88, s3;
	s6 =	simm.s32 @!p1 $0x1082;
	[sflag:s4] =	ssyncset.s32 $0xFFFFF086  }
0x25: {  	[simem:s6], [sflag:s4] =	dma.local [hbm:s3], $0xF7A  }
0x26: {  	[smem:$0x3F9A] =	sst s1;
	(tag) =	ssettag s2;
	_ =	strace s9  }
0x27: {  	s1 =	sld [smem:$0x3FAA]  }
0x28: {  	s2 =	sld [smem:$0x3FAB]  }
0x29: {  	s4 =	sld [smem:$0x3FAD]  }
0x2a: {  	p0 =	seq.s32 s5, $0x0;
	s5 =	sld [smem:$0x3FAE]  }
0x2b: {  	s6 =	sld [smem:$0x3FAF]  }
0x2c: {  	s7 =	sld [smem:$0x3FB0]  }
0x2d: {  	s3 =	simm.s32 $0x108;
	s8 =	sld [smem:$0x3FB1]  }
0x2e: {  	s3 =	simm.s32 @!p0 $0x1082;
	s9 =	sld [smem:$0x3FB2]  }
0x2f: {  	lr =	sadd.s32 s0, s3;
	s0 =	sld [smem:$0x3FA9]  }
0x30: {  	s3 =	sld [smem:$0x3FAC]  }
0x31: {  	[smem:$0x3FB5] =	sst s10  }
0x32: {  	s10 =	sld [smem:$0x3FB3];
	_ =	sdelay $0x3  }
0x33: {  	p0 =	seq.s32 s10, $0x1;
	s10 =	sld [smem:$0x3FB5];
	_ =	sdelay $0x3  }
0x34: {  	[smem:$0x3FB5] =	sst s10  }
0x35: {  	s10 =	sld [smem:$0x3FB4];
	_ =	sdelay $0x3  }
0x36: {  	p1 =	seq.s32 s10, $0x1;
	s10 =	sld [smem:$0x3FB5];
	_ =	sdelay $0x3  }
0x37: {  	[smem:$0x3FB5] =	sst s10  }
0x38: {  	s10 =	sld [smem:$0x3FB6]  }
0x39: {  	_ = 	snop;
	(pc) =	sbr.ind lr, $3  }
0x3a: {  	_ = 	snop  }
0x3b: {  	_ = 	snop  }
0x3c: {  	p2 =	seq.s32 s10, $0x1;
	s10 =	sld [smem:$0x3FB5]  }
0x3d: {  	_ =	shalt  }
0x3e: {  	_ =	shalt  }
0x3f: {  	_ =	shalt  }
0x40: {  	_ =	shalt  }
0x41: {  	_ =	shalt  }
0x42: {  	_ =	shalt  }
0x43: {  	_ =	shalt  }
0x44: {  	_ =	shalt  }
0x45: {  	_ =	shalt  }
0x46: {  	_ =	shalt  }
0x47: {  	_ =	shalt  }
0x48: {  	_ =	shalt  }
0x49: {  	_ =	shalt  }
0x4a: {  	_ =	shalt  }
0x4b: {  	_ =	shalt  }
0x4c: {  	_ =	shalt  }
0x4d: {  	_ =	shalt  }
0x4e: {  	_ =	shalt  }
0x4f: {  	_ =	shalt  }
0x50: {  	_ =	shalt  }
0x51: {  	_ =	shalt  }
0x52: {  	_ =	shalt  }
0x53: {  	_ =	shalt  }
0x54: {  	_ =	shalt  }
0x55: {  	_ =	shalt  }
0x56: {  	_ =	shalt  }
0x57: {  	_ =	shalt  }
0x58: {  	_ =	shalt  }
0x59: {  	_ =	shalt  }
0x5a: {  	_ =	shalt  }
0x5b: {  	_ =	shalt  }
0x5c: {  	_ =	shalt  }
0x5d: {  	_ =	shalt  }
0x5e: {  	_ =	shalt  }
0x5f: {  	_ =	shalt  }
0x60: {  	_ =	shalt  }
0x61: {  	_ =	shalt  }
0x62: {  	_ =	shalt  }
0x63: {  	_ =	shalt  }
0x64: {  	_ =	shalt  }
0x65: {  	_ =	shalt  }
0x66: {  	_ =	shalt  }
0x67: {  	_ =	shalt  }
0x68: {  	_ =	shalt  }
0x69: {  	_ =	shalt  }
0x6a: {  	_ =	shalt  }
0x6b: {  	_ =	shalt  }
0x6c: {  	_ =	shalt  }
0x6d: {  	_ =	shalt  }
0x6e: {  	_ =	shalt  }
0x6f: {  	_ =	shalt  }
0x70: {  	_ =	shalt  }
0x71: {  	_ =	shalt  }
0x72: {  	_ =	shalt  }
0x73: {  	_ =	shalt  }
0x74: {  	_ =	shalt  }
0x75: {  	_ =	shalt  }
0x76: {  	_ =	shalt  }
0x77: {  	_ =	shalt  }
0x78: {  	_ =	shalt  }
0x79: {  	_ =	shalt  }
0x7a: {  	_ =	shalt  }
0x7b: {  	_ =	shalt  }
0x7c: {  	_ =	shalt  }
0x7d: {  	_ =	shalt  }
0x7e: {  	_ =	shalt  }
0x7f: {  	_ =	shalt  }
0x80: {  	_ =	shalt  }
0x81: {  	_ =	shalt  }
0x82: {  	_ =	shalt  }
0x83: {  	_ =	shalt  }
0x84: {  	_ =	shalt  }
0x85: {  	_ =	shalt  }
0x86: {  	_ =	shalt  }
0x87: {  	_ =	shalt  }
.Lfunc_end0:
.L_simem_size_0:
called_computation_lowered:
.L_overlay_start_0:
0x88: {  	s2 =	sld [smem:$0x3FD9]  }
0x89: {  	s3 =	sld [smem:$0x3FFE];
	_ =	sdelay $0x1  }
0x8a: {  	s1 =	srdreg.scid  }
0x8b: {  	s0 =	sand.u32 $0x1, s1  }
0x8c: {  	s17 =	sshll.u32 s0, $0xA;
	s2 =	sadd.s32 s3, s2  }
0x8d: {  	s2 =	sadd.s32 s2, s17  }
0x8e: {  	[smem:$0x3FC1] =	sst s2  }
0x8f: {  	_ = 	snop  }
0x90: {  	s2 =	sld [smem:$0x3FD0];
	(tm) =	ssettm $0x1  }
0x91: {  	s18 =	sld [smem:$0x3FFB];
	_ =	sdelay $0x3  }
0x92: {  	_ =	strace s18  }
0x93: {  	s3 =	sld [smem:$0x3FFC];
	_ =	sdelay $0x3  }
0x94: {  	_ =	strace s3  }
0x95: {  	s3 =	sld [smem:$0x3FFD];
	_ =	sdelay $0x3  }
0x96: {  	_ =	strace s3  }
0x97: {  	_ =	strace $0x8FFFFFFF  }
0x98: {  	s19 =	sld [smem:$0x3FDB];
	_ =	sdelay $0x1  }
0x99: {  	s4 =	simm.s32 $_scs_section_size  }
0x9a: {  	s5 =	simm.s32 $_size__tile_overlayer_lowered;
	s6 =	simm.s32 $_tile_overlayer_lowered  }
0x9b: {  	s22 =	simm.s32 $0x1BFF;
	s21 =	sshll.u32 s6, $0x1;
	s3 =	sadd.s32 s4, s19  }
0x9c: {  	s7 =	simm.s32 $0x0;
	s20 =	sshll.u32 s5, $0x1;
	s5 =	sadd.s32 s21, s3  }
0x9d: {  	[timem:s7], [sflag:s22] =	dma.local [hbm:s5], s20  }
0x9e: {  	_ =	swait.ge [sflag:s22], s20  }
0x9f: {  	s4 =	ssub.s32 $0x0, s20;
	[sflag:s22] =	ssyncset.done $0x0  }
0xa0: {  	[sflag:s22] =	ssyncadd.s32 s4;
	_ =	sdelay $0x1  }
0xa1: {  	s23 =	simm.s32 $0x1B8B  }
0xa2: {  	_ =	swait.ge [sflag:s23], $0x1  }
0xa3: {  	[sflag:s23] =	ssyncset.done $0x0  }
0xa4: {  	s25 =	simm.s32 $0x1B8E;
	s24 =	sld [smem:$0x3FFE];
	[sflag:s23] =	ssyncadd.s32 $0xFFFFFFFF  }
0xa5: {  	s26 =	simm.s32 $execute0_lowered;
	[smem:$0x3FD2] =	sst s25  }
0xa6: {  	s5 =	sshll.u32 s26, $0x1;
	_ =	strace $0x80000046;
	[dreg:$0x1] =	wrdreg $0xFFFFFFFF  }
0xa7: {  	s28 =	simm.s32 $_size_execute0_lowered;
	s3 =	sadd.s32 s3, s5;
	[dreg:$0x0] =	wrdreg $0x0  }
0xa8: {  	s5 =	sshll.u32 s28, $0x1;
	[dreg:$0x2] =	wrdreg s3  }
0xa9: {  	[dreg:$0x3] =	wrdreg s5  }
0xaa: {  	[dreg:$0x4] =	wrdreg $0xC0  }
0xab: {  	_ =	task [dreg:s7], $0x5FFFF  }
0xac: {  	[dreg:$0x1] =	wrdreg $0xFFFFFFFF  }
0xad: {  	[dreg:$0x0] =	wrdreg $0x60  }
0xae: {  	[dreg:$0x2] =	wrdreg s24  }
0xaf: {  	[dreg:$0x3] =	wrdreg s2  }
0xb0: {  	[dreg:$0x4] =	wrdreg $0xA8000  }
0xb1: {  	[dreg:$0x5] =	wrdreg $0x9  }
0xb2: {  	_ =	task.clear_ibuf [dreg:s7], $0x6FFFF;
	_ =	strace $0x90000046  }
0xb3: {  	s29 =	simm.s32 $0x9;
	_ =	strace $0x80000048  }
0xb4: {  	_ =	swait.ge [sflag:s29], $0x1  }
0xb5: {  	[sflag:s29] =	ssyncadd.s32 $0xFFFFFFFF  }
0xb6: {  	_ =	strace $0x90000048  }
0xb7: {  	_ =	sfence  }
0xb8: {  	s30 =	sld [smem:$0x0];
	_ =	sdelay $0x2  }
0xb9: {  	s31 =	sshll.u32 s1, $0xD;
	s1 =	sshrl.u32 s1, $0x2  }
0xba: {  	s3 =	sand.u32 $0x4000, s31;
	s1 =	sadd.s32 s1, s30  }
0xbb: {  	s0 =	sor.u32 s3, s0;
	s1 =	sshll.u32 s1, $0x11  }
0xbc: {  	s0 =	sor.u32 s1, s0  }
0xbd: {  	s0 =	sadd.s32 $0x8F2B, s0  }
0xbe: {  	[sflag:s0] =	ssyncadd.remote.s32 $0x1  }
0xbf: {  	_ =	sfence.sel $0xFFFF  }
0xc0: {  	[dreg:$0x0] =	wrdreg $0xFFFFFFFF;
	(pc) =	sbr.abs _section_cstart, $3  }
0xc1: {  	[dreg:$0x1] =	wrdreg $0xFFFFFFFF  }
0xc2: {  	_ =	task.clear_ibuf [dreg:s7], $0x2FFFF;
	_ =	strace $0x9FFFFFFF  }
0xc3: {  	(tm) =	ssettm $0x7FFFFFFF  }
tec
execute0_lowered:
.L_overlay_start_1:
0x0: {  	(tag) =	ssettag $0x1  }
0x1: {  	s6 =	rddreg [dreg:$0x0]  }
0x2: {  	s13 =	rddreg [dreg:$0x1]  }
0x3: {  	s2 =	rddreg [dreg:$0x2]  }
0x4: {  	s0 =	rddreg [dreg:$0x3];
	s3 =	simm.s32 $0x0;
	s1 =	stileid.u32  }
0x5: {  	s4 =	srdreg.scid;
	s16 =	simm.s32 $0x2800;
	s17 =	simm.s32 $0x6800  }
0x6: {  	s18 =	simm.s32 $0x1400;
	s19 =	simm.s32 $0x80;
	s20 =	simm.s32 $0x1  }
0x7: {  	s21 =	simm.s32 $0x2;
	s22 =	simm.s32 $0x0;
	[smem:$0x7FF] =	sst s3  }
0x8: {  	s7 =	smul.u32 $0x14000, s1;
	s8 =	sand.u32 $0x1, s4;
	s12 =	sadd.s32 $0x2800, s6  }
0x9: {  	s4 =	sadd.s32 $0xC800, s6;
	s5 =	sadd.s32 $0xD000, s6;
	s11 =	smul.u32 $0x50000, s1  }
0xa: {  	s25 =	sshll.u32 s1, $0x1;
	s29 =	sshll.u32 s1, $0x6;
	_ =	strace $0x80000047  }
0xb: {  	s9 =	smul.u32 $0x140000, s8;
	s23 =	ssub.s32 $0x2, s8;
	s26 =	sor.u32 s8, s25  }
0xc: {  	s10 =	sshrl.u32 s7, $0x3;
	s24 =	sshrl.u32 s23, $0x1;
	s28 =	sshrl.u32 s11, $0x2  }
0xd: {  	s30 =	smul.u32 $0x500, s26;
	s10 =	sadd.s32 s10, s6;
	s7 =	sadd.s32 s7, s9  }
0xe: {  	s9 =	ssub.s32 s23, s24;
	s15 =	sadd.s32 s28, s2;
	s7 =	sshrl.u32 s7, $0x3  }
0xf: {  	s9 =	smax.u32 s9, $0x1;
	s31 =	sadd.s32 $0x280, s30;
	s11 =	sadd.s32 s13, s30  }
0x10: {  	s14 =	sadd.s32 s7, s6;
	s6 =	sadd.s32 $0xD800, s10;
	s7 =	sor.u32 $0x1C03, s29  }
0x11: {  	s10 =	sadd.s32 s12, s30;
	s12 =	sadd.s32 s12, s31;
	s13 =	sadd.s32 s13, s31  }
0x12: {  	s8 =	sadd.s32 $0x35800, s14;
	s14 =	sshrl.u32 s15, $0x3;
	s15 =	simm.s32 $0x3  }
.LBB2_1:
0x13: {  	[spmem:s14], [sflag:s7] =	dma.local [hbm:s6], $0x2800  }
0x14: {  	_ =	swait.ge [sflag:s15], $0x2800  }
0x15: {  	[sflag:s15] =	ssyncset.done $0x0  }
0x16: {  	[sflag:s15] =	ssyncadd.s32 $0xFFFFD800  }
0x17: {  	[tilespmem:s16], [sflag:$0x3] =	stream.linear.gather [hbm4b:s4+s3], $0x4000, $0x38;
	[tilespmem:$0x1E800] =	vst v63  }
0x18: {  	_ =	swait.ge [sflag:s15], $0x4000  }
0x19: {  	[sflag:s15] =	ssyncset.done $0x0  }
0x1a: {  	[sflag:s15] =	ssyncadd.s32 $0xFFFFC000  }
0x1b: {  	[tilespmem:s17], [sflag:$0x3] =	stream.linear.gather [hbm4b:s5+s3], $0x4000, $0x38;
	[tilespmem:$0x1E800] =	vst v63  }
0x1c: {  	_ =	swait.ge [sflag:s15], $0x4000  }
0x1d: {  	[sflag:s15] =	ssyncset.done $0x0  }
0x1e: {  	[sflag:s15] =	ssyncadd.s32 $0xFFFFC000  }
0x1f: {  	[bflag:$0x0] =	sbarrier.arrive $0xFFFF  }
0x20: {  	[tilespmem:s3], [sflag:$0x3] =	stream.linear.gather [hbm4b:s10+s3], $0x1400, $0x38;
	[tilespmem:$0x1E800] =	vst v63  }
0x21: {  	_ =	swait.ge [sflag:s15], $0x1400  }
0x22: {  	[sflag:s15] =	ssyncset.done $0x0  }
0x23: {  	[sflag:s15] =	ssyncadd.s32 $0xFFFFEC00  }
0x24: {  	[tilespmem:s18], [sflag:$0x3] =	stream.linear.gather [hbm4b:s11+s3], $0x1400, $0x38;
	[tilespmem:$0x1E800] =	vst v63  }
0x25: {  	_ =	swait.ge [sflag:s15], $0x1400  }
0x26: {  	[sflag:s15] =	ssyncset.done $0x0  }
0x27: {  	[sflag:s15] =	ssyncadd.s32 $0xFFFFEC00  }
0x28: {  	[spmem:s2] =	stream.indirect.scatter.add.f32 [tilespmem:s16], [sflag:$0x1], $0x80, s3, s19, $0xb8;
	[tilespmem:$0x1E800] =	vst v63  }
0x29: {  	_ = 	snop  }
0x2a: {  	[spmem:s2] =	stream.indirect.scatter.add.f32 [tilespmem:s17], [sflag:$0x2], $0x80, s18, s19, $0xb8;
	[tilespmem:$0x1E800] =	vst v63  }
0x2b: {  	s23 =	simm.s32 $0x80  }
0x2c: {  	[spmem:s2] =	stream.indirect.scatter.add.f32 [tilespmem:s16], [sflag:$0x1], $0x80, s23, s19, $0xb8;
	[tilespmem:$0x1E800] =	vst v63  }
0x2d: {  	s31 =	simm.s32 $0x1480  }
0x2e: {  	[spmem:s2] =	stream.indirect.scatter.add.f32 [tilespmem:s17], [sflag:$0x2], $0x80, s31, s19, $0xb8;
	[tilespmem:$0x1E800] =	vst v63  }
0x2f: {  	_ =	swait.ge [sflag:s20], $0x4000  }
0x30: {  	[sflag:s20] =	ssyncset.done $0x0  }
0x31: {  	[sflag:s20] =	ssyncadd.s32 $0xFFFFC000  }
0x32: {  	_ =	swait.ge [sflag:s21], $0x4000  }
0x33: {  	s24 =	simm.s32 $0x600;
	s23 =	simm.s32 $0x400;
	[sflag:s21] =	ssyncset.done $0x0  }
.LBB2_2:
0x34: {  	s25 =	sshra.s32 s23, $0x2  }
0x35: {  	[sflag:s21] =	ssyncadd.s32 $0xFFFFC000;
	s23 =	smov.u32 s24;
	s26 =	sadd.s32 $0x200, s24  }
0x36: {  	[spmem:s2] =	stream.indirect.scatter.add.f32 [tilespmem:s16], [sflag:$0x1], $0x80, s25, s19, $0xb8;
	[tilespmem:$0x1E800] =	vst v63  }
0x37: {  	p0 =	sne.s32 s24, $0x4E00;
	s24 =	sadd.s32 $0x1400, s25  }
0x38: {  	[spmem:s2] =	stream.indirect.scatter.add.f32 [tilespmem:s17], [sflag:$0x2], $0x80, s24, s19, $0xb8;
	[tilespmem:$0x1E800] =	vst v63  }
.Ltmp0:
0x39: {  	_ =	swait.ge [sflag:s20], $0x4000;
	(pc) =	sbr.rel @p0 .LBB2_2-.Ltmp0, $4  }
0x3a: {  	[sflag:s20] =	ssyncset.done $0x0  }
0x3b: {  	[sflag:s20] =	ssyncadd.s32 $0xFFFFC000  }
0x3c: {  	_ =	swait.ge [sflag:s21], $0x4000  }
0x3d: {  	s24 =	smov.u32 s26;
	[sflag:s21] =	ssyncset.done $0x0  }
0x3e: {  	s23 =	sshra.s32 s23, $0x2;
	[sflag:s21] =	ssyncadd.s32 $0xFFFFC000  }
0x3f: {  	[spmem:s2] =	stream.indirect.scatter.add.f32 [tilespmem:s16], [sflag:$0x1], $0x80, s23, s19, $0xb8;
	[tilespmem:$0x1E800] =	vst v63  }
0x40: {  	s23 =	sadd.s32 $0x1400, s23  }
0x41: {  	[spmem:s2] =	stream.indirect.scatter.add.f32 [tilespmem:s17], [sflag:$0x2], $0x80, s23, s19, $0xb8;
	[tilespmem:$0x1E800] =	vst v63  }
0x42: {  	_ =	swait.ge [sflag:s20], $0x4000  }
0x43: {  	[sflag:s20] =	ssyncset.done $0x0  }
0x44: {  	[sflag:s20] =	ssyncadd.s32 $0xFFFFC000  }
0x45: {  	_ =	swait.ge [sflag:s21], $0x4000  }
0x46: {  	[sflag:s21] =	ssyncset.done $0x0  }
0x47: {  	[sflag:s21] =	ssyncadd.s32 $0xFFFFC000  }
0x48: {  	_ =	swait.ge [sflag:s20], $0x4000  }
0x49: {  	[sflag:s20] =	ssyncset.done $0x0  }
0x4a: {  	[sflag:s20] =	ssyncadd.s32 $0xFFFFC000  }
0x4b: {  	_ =	swait.ge [sflag:s21], $0x4000  }
0x4c: {  	[sflag:s21] =	ssyncset.done $0x0  }
0x4d: {  	[sflag:s21] =	ssyncadd.s32 $0xFFFFC000  }
0x4e: {  	[tilespmem:s3], [sflag:$0x3] =	stream.linear.gather [hbm4b:s12+s3], $0x1400, $0x38;
	[tilespmem:$0x1E800] =	vst v63  }
0x4f: {  	_ =	swait.ge [sflag:s15], $0x1400  }
0x50: {  	[sflag:s15] =	ssyncset.done $0x0  }
0x51: {  	[sflag:s15] =	ssyncadd.s32 $0xFFFFEC00  }
0x52: {  	[tilespmem:s18], [sflag:$0x3] =	stream.linear.gather [hbm4b:s13+s3], $0x1400, $0x38;
	[tilespmem:$0x1E800] =	vst v63  }
0x53: {  	_ =	swait.ge [sflag:s15], $0x1400  }
0x54: {  	[sflag:s15] =	ssyncset.done $0x0  }
0x55: {  	[sflag:s15] =	ssyncadd.s32 $0xFFFFEC00  }
0x56: {  	[spmem:s2] =	stream.indirect.scatter.add.f32 [tilespmem:s16], [sflag:$0x1], $0x80, s3, s19, $0xb8;
	[tilespmem:$0x1E800] =	vst v63  }
0x57: {  	_ = 	snop  }
0x58: {  	[spmem:s2] =	stream.indirect.scatter.add.f32 [tilespmem:s17], [sflag:$0x2], $0x80, s18, s19, $0xb8;
	[tilespmem:$0x1E800] =	vst v63  }
0x59: {  	s30 =	simm.s32 $0x80  }
0x5a: {  	[spmem:s2] =	stream.indirect.scatter.add.f32 [tilespmem:s16], [sflag:$0x1], $0x80, s30, s19, $0xb8;
	[tilespmem:$0x1E800] =	vst v63  }
0x5b: {  	s31 =	simm.s32 $0x1480  }
0x5c: {  	[spmem:s2] =	stream.indirect.scatter.add.f32 [tilespmem:s17], [sflag:$0x2], $0x80, s31, s19, $0xb8;
	[tilespmem:$0x1E800] =	vst v63  }
0x5d: {  	_ =	swait.ge [sflag:s20], $0x4000  }
0x5e: {  	[sflag:s20] =	ssyncset.done $0x0  }
0x5f: {  	[sflag:s20] =	ssyncadd.s32 $0xFFFFC000  }
0x60: {  	_ =	swait.ge [sflag:s21], $0x4000  }
0x61: {  	s24 =	simm.s32 $0x600;
	s23 =	simm.s32 $0x400;
	[sflag:s21] =	ssyncset.done $0x0  }
.LBB2_4:
0x62: {  	s25 =	sshra.s32 s23, $0x2  }
0x63: {  	[sflag:s21] =	ssyncadd.s32 $0xFFFFC000;
	s23 =	smov.u32 s24;
	s26 =	sadd.s32 $0x200, s24  }
0x64: {  	[spmem:s2] =	stream.indirect.scatter.add.f32 [tilespmem:s16], [sflag:$0x1], $0x80, s25, s19, $0xb8;
	[tilespmem:$0x1E800] =	vst v63  }
0x65: {  	p0 =	sne.s32 s24, $0x4E00;
	s24 =	sadd.s32 $0x1400, s25  }
0x66: {  	[spmem:s2] =	stream.indirect.scatter.add.f32 [tilespmem:s17], [sflag:$0x2], $0x80, s24, s19, $0xb8;
	[tilespmem:$0x1E800] =	vst v63  }
.Ltmp1:
0x67: {  	_ =	swait.ge [sflag:s20], $0x4000;
	(pc) =	sbr.rel @p0 .LBB2_4-.Ltmp1, $4  }
0x68: {  	[sflag:s20] =	ssyncset.done $0x0  }
0x69: {  	[sflag:s20] =	ssyncadd.s32 $0xFFFFC000  }
0x6a: {  	_ =	swait.ge [sflag:s21], $0x4000  }
0x6b: {  	s24 =	smov.u32 s26;
	[sflag:s21] =	ssyncset.done $0x0  }
0x6c: {  	s23 =	sshra.s32 s23, $0x2;
	[sflag:s21] =	ssyncadd.s32 $0xFFFFC000  }
0x6d: {  	[spmem:s2] =	stream.indirect.scatter.add.f32 [tilespmem:s16], [sflag:$0x1], $0x80, s23, s19, $0xb8;
	[tilespmem:$0x1E800] =	vst v63  }
0x6e: {  	s23 =	sadd.s32 $0x1400, s23  }
0x6f: {  	[spmem:s2] =	stream.indirect.scatter.add.f32 [tilespmem:s17], [sflag:$0x2], $0x80, s23, s19, $0xb8;
	[tilespmem:$0x1E800] =	vst v63  }
0x70: {  	_ =	swait.ge [sflag:s20], $0x4000  }
0x71: {  	[sflag:s20] =	ssyncset.done $0x0  }
0x72: {  	[sflag:s20] =	ssyncadd.s32 $0xFFFFC000  }
0x73: {  	_ =	swait.ge [sflag:s21], $0x4000  }
0x74: {  	[sflag:s21] =	ssyncset.done $0x0  }
0x75: {  	[sflag:s21] =	ssyncadd.s32 $0xFFFFC000  }
0x76: {  	_ =	swait.ge [sflag:s20], $0x4000  }
0x77: {  	[sflag:s20] =	ssyncset.done $0x0  }
0x78: {  	[sflag:s20] =	ssyncadd.s32 $0xFFFFC000  }
0x79: {  	_ =	swait.ge [sflag:s21], $0x4000  }
0x7a: {  	s22 =	sadd.s32 $0x1, s22;
	[sflag:s21] =	ssyncset.done $0x0  }
0x7b: {  	p0 =	sne.s32 s22, s9;
	[sflag:s21] =	ssyncadd.s32 $0xFFFFC000  }
.Ltmp2:
0x7c: {  	[bflag:$0x0] =	sbarrier.arrive $0xFFFF;
	(pc) =	sbr.rel @p0 .LBB2_1-.Ltmp2, $4  }
0x7d: {  	[hbm:s8], [sflag:s7] =	dma.local [spmem:s14], $0x2800  }
0x7e: {  	_ =	swait.ge [sflag:s15], $0x2800  }
0x7f: {  	[sflag:s15] =	ssyncset.done $0x0  }
0x80: {  	[sflag:s15] =	ssyncadd.s32 $0xFFFFD800  }
0x81: {  	_ =	sfence.sel $0x180000  }
0x82: {  	[bflag:$0x0] =	sbarrier.arrive $0xFFFF  }
0x83: {  	p0 =	sne.s32 s1, $0x0;
	_ =	strace $0x90000047  }
0x84: {  	s0 =	sadd.s32 @!p0 $0x100000, s0;
	[bflag:$0x2] =	sbarrier.arrive $0xFFFF  }
0x85: {  	[sflag:s0] =	ssyncadd.tile.s32 @!p0 $0x1;
	_ =	shalt  }
.Lfunc_end2:
_tile_overlayer_lowered:
.L_overlay_start_2:
0x86: {  	(tag) =	ssettag $0x2  }
0x87: {  	s0 =	rddreg [dreg:$0x0];
	s2 =	stileid.u32  }
0x88: {  	s1 =	rddreg [dreg:$0x1];
	p0 =	sne.s32 s2, $0x0  }
0x89: {  	s3 =	rddreg [dreg:$0x2];
	[bflag:$0x3] =	sbarrier.arrive $0xFFFF;
	s2 =	simm.s32 @!p0 $0x1C03  }
0x8a: {  	[timem:s3], [sflag:s2] =	dma.local @!p0 [hbm:s0], s1  }
0x8b: {  	s0 =	simm.s32 @!p0 $0x3  }
0x8c: {  	_ =	swait.ge @!p0 [sflag:s0], s1  }
0x8d: {  	s1 =	ssub.s32 @!p0 $0x0, s1;
	[sflag:s0] =	ssyncset.done @!p0 $0x0  }
0x8e: {  	[sflag:s0] =	ssyncadd.s32 @!p0 s1  }
0x8f: {  	[bflag:$0x3] =	sbarrier.arrive $0xFFFF  }
0x90: {  	_ =	shalt  }

</sc_bundles>
